<compile_context>
chip_gen: v7x
topology: tpu7x:2x2x1
jax: 0.10.2.dev20260603
libtpu: 0.0.44.dev20260713+nightly
codegen_flags: <defaults>
</compile_context>

<pallas_src>
import functools

import jax
import jax.numpy as jnp
from jax import lax
from jax.experimental import pallas as pl
from jax.experimental.pallas import tpu as pltpu
from jax.experimental.pallas import tpu_sc as plsc

B = 1024
L = 200
D = 64
N = B * L
NC = 2
NS = 16
LANES = 16
NW = NC * NS
CHUNK = 128
NUNITS = N // CHUNK
PER_W = NUNITS // NW
NBUF = 5
NBLK = PER_W // NBUF
DEPTH = 4
GRP = CHUNK // LANES
DHI = D // 8

_mesh = plsc.VectorSubcoreMesh(
    core_axis_name="c", subcore_axis_name="s", num_cores=NC, num_subcores=NS
)


@functools.partial(
    pl.kernel,
    out_type=jax.ShapeDtypeStruct((L, DHI, B // CHUNK, 8, CHUNK), jnp.float32),
    mesh=_mesh,
    compiler_params=pltpu.CompilerParams(
        use_tc_tiling_on_sc=False, needs_layout_passes=False
    ),
    scratch_types=[
        pltpu.VMEM((PER_W, CHUNK), jnp.int32),
        pltpu.VMEM((PER_W, CHUNK), jnp.float32),
    ]
    + [pltpu.VMEM((CHUNK, D), jnp.float32) for _ in range(NBUF)]
    + [pltpu.VMEM((DHI, 8, CHUNK), jnp.float32) for _ in range(NBUF)]
    + [
        pltpu.SemaphoreType.DMA((NBUF,)),
        pltpu.SemaphoreType.DMA((NBUF,)),
    ],
)
def _sc_embed(table_hbm, idx_hbm, val_hbm, out_hbm, idx_v, val_v, *bufs):
    rin = bufs[:NBUF]
    rout = bufs[NBUF:2 * NBUF]
    gsem, wsem = bufs[2 * NBUF], bufs[2 * NBUF + 1]

    wid = lax.axis_index("s") * NC + lax.axis_index("c")
    ubase = wid * PER_W

    pltpu.sync_copy(idx_hbm.at[pl.ds(ubase, PER_W)], idx_v)
    pltpu.sync_copy(val_hbm.at[pl.ds(ubase, PER_W)], val_v)

    for b in range(DEPTH):
        pltpu.async_copy(
            table_hbm.at[idx_v.at[b]], rin[b], gsem.at[b]
        )

    def block(kk, carry):
        for b in range(NBUF):
            c = kk * NBUF + b
            u = ubase + c
            l = u // (B // CHUNK)
            kb = u % (B // CHUNK)
            pltpu.make_async_copy(
                table_hbm.at[idx_v.at[c]], rin[b], gsem.at[b]
            ).wait()
            @pl.when(kk > 0)
            def _():
                pltpu.make_async_copy(
                    rout[b], out_hbm.at[l, pl.ds(0, DHI), kb], wsem.at[b]
                ).wait()

            def grp_body(g, carry2):
                lane = lax.iota(jnp.int32, LANES)
                toks = g * LANES + lane
                v16 = val_v[c, pl.ds(g * LANES, LANES)]

                @plsc.parallel_loop(0, D, 1, unroll=8)
                def _dloop(dp):
                    dvec = (dp + lane) & (D - 1)
                    src = plsc.load_gather(rin[b], [toks, dvec])
                    plsc.store_scatter(rout[b], [dvec >> 3, dvec & 7, toks], src * v16)

                return carry2

            lax.fori_loop(0, GRP, grp_body, 0)

            pltpu.async_copy(
                rout[b], out_hbm.at[l, pl.ds(0, DHI), kb], wsem.at[b]
            )
            cn = jnp.minimum(c + DEPTH, PER_W - 1)

            @pl.when(c + DEPTH < PER_W)
            def _():
                pltpu.async_copy(
                    table_hbm.at[idx_v.at[cn]],
                    rin[(b + DEPTH) % NBUF],
                    gsem.at[(b + DEPTH) % NBUF],
                )

        return carry

    lax.fori_loop(0, NBLK, block, 0)

    for b in range(NBUF):
        c = (NBLK - 1) * NBUF + b
        u = ubase + c
        l = u // (B // CHUNK)
        kb = u % (B // CHUNK)
        pltpu.make_async_copy(
            rout[b], out_hbm.at[l, pl.ds(0, DHI), kb], wsem.at[b]
        ).wait()


def kernel(feature_idx, feature_val, table):
    idx_t = feature_idx.T.reshape(NUNITS, CHUNK).astype(jnp.int32)
    val_t = feature_val.reshape(B, L).T.reshape(NUNITS, CHUNK)
    out5 = _sc_embed(table, idx_t, val_t)
    return out5.transpose(2, 4, 0, 1, 3).reshape(B, L, D)

# --- scband reference (transcript-rebuilt; emitter-appended) ---
"""Pipeline reference for scband-model-percent-embedding-84516366451383 (READ-ONLY COPY).

The authoritative reference and input builder live on the scoring server;
editing this copy changes nothing except your own understanding.
"""

import jax, jax.numpy as jnp
import numpy as np

VOCAB = 100000
D_MODEL = 64
B = 1024
L = 200


def setup_inputs(seed: int = 0) -> dict:
    key = jax.random.key(seed)
    k1, k2, k3 = jax.random.split(key, 3)
    feature_idx = jax.random.randint(k1, (B, L), 0, VOCAB, dtype=jnp.int64)
    feature_val = jax.random.uniform(k2, (B, L, 1), dtype=jnp.float32)
    table = jax.random.normal(k3, (VOCAB, D_MODEL), dtype=jnp.float32) * 0.02
    # padding_idx=0 row is initialized to zeros in torch nn.Embedding
    table = table.at[0].set(0.0)
    return {"feature_idx": feature_idx, "feature_val": feature_val, "table": table}


def reference(feature_idx, feature_val, table):
    # WordEmbedding: gather rows from embedding table (padding_idx=0 row is zero)
    emb = jnp.take(table, feature_idx, axis=0)  # [B, L, D]
    # PercentValueEncoding with embedding_dropout=False: elementwise scale
    out = emb * feature_val  # broadcast [B, L, 1] over D
    return out

if __name__ == "__main__":
    import jax
    _d = setup_inputs()
    print(jax.jit(kernel)(*tuple(_d.values())))

</pallas_src>

<mosaic_0001>
#map = affine_map<(d0, d1) -> (0, 0)>
#map1 = affine_map<(d0, d1) -> (0, 0, 0, 0, 0)>
module attributes {stable_mosaic.version = 14 : i64} {
  func.func @_sc_embed(%arg0: i32, %arg1: i32, %arg2: memref<100000x64xf32, #tpu.memory_space<hbm>>, %arg3: memref<1600x128xi32, #tpu.memory_space<hbm>>, %arg4: memref<1600x128xf32, #tpu.memory_space<hbm>>, %arg5: memref<200x8x8x8x128xf32, #tpu.memory_space<hbm>>, %arg6: memref<50x128xi32, #tpu.memory_space<vmem>>, %arg7: memref<50x128xf32, #tpu.memory_space<vmem>>, %arg8: memref<128x64xf32, #tpu.memory_space<vmem>>, %arg9: memref<128x64xf32, #tpu.memory_space<vmem>>, %arg10: memref<128x64xf32, #tpu.memory_space<vmem>>, %arg11: memref<128x64xf32, #tpu.memory_space<vmem>>, %arg12: memref<128x64xf32, #tpu.memory_space<vmem>>, %arg13: memref<8x8x128xf32, #tpu.memory_space<vmem>>, %arg14: memref<8x8x128xf32, #tpu.memory_space<vmem>>, %arg15: memref<8x8x128xf32, #tpu.memory_space<vmem>>, %arg16: memref<8x8x128xf32, #tpu.memory_space<vmem>>, %arg17: memref<8x8x128xf32, #tpu.memory_space<vmem>>, %arg18: memref<5x!tpu.dma_semaphore, #tpu.memory_space<semaphore_mem>>, %arg19: memref<5x!tpu.dma_semaphore, #tpu.memory_space<semaphore_mem>>) attributes {dimension_semantics = [#tpu.dimension_semantics<core_parallel>, #tpu.dimension_semantics<subcore_parallel>], iteration_bounds = array<i64: 2, 16>, scalar_prefetch = 0 : i64, scratch_operands = 14 : i64, tpu.core_type = #tpu.core_type<sc_vector_subcore>, window_params = [{transform_indices = #map}, {transform_indices = #map}, {transform_indices = #map}, {transform_indices = #map1}]} {
    %mul3A = arith.constant 2 : i32
    %mul3A_0 = arith.muli %arg1, %mul3A : i32
    %add3A = arith.addi %mul3A_0, %arg0 : i32
    %mul3A_1 = arith.constant 50 : i32
    %mul3A_2 = arith.muli %add3A, %mul3A_1 : i32
    "tpu.region"() ({
      %run_scoped3A = tpu.sem_alloc : memref<!tpu.dma_semaphore, #tpu.memory_space<semaphore_mem>>
      %dma_start3A_311 = arith.constant 0 : i32
      %dma_start3A_312 = tpu.memref_slice %arg3[%mul3A_2, %dma_start3A_311] : memref<1600x128xi32, #tpu.memory_space<hbm>> -> memref<50x128xi32, #tpu.memory_space<hbm>>
      %dma_start3A_313 = arith.constant 0 : i32
      %dma_start3A_314 = tpu.memref_slice %arg3[%mul3A_2, %dma_start3A_313] : memref<1600x128xi32, #tpu.memory_space<hbm>> -> memref<50x128xi32, #tpu.memory_space<hbm>>
      tpu.enqueue_dma source(%dma_start3A_314 : memref<50x128xi32, #tpu.memory_space<hbm>>) target(%arg6 : memref<50x128xi32, #tpu.memory_space<vmem>>) target_semaphore(%run_scoped3A : memref<!tpu.dma_semaphore, #tpu.memory_space<semaphore_mem>>)
      %dma_wait3A_315 = arith.constant 0 : i32
      %dma_wait3A_316 = tpu.memref_slice %arg3[%mul3A_2, %dma_wait3A_315] : memref<1600x128xi32, #tpu.memory_space<hbm>> -> memref<50x128xi32, #tpu.memory_space<hbm>>
      %dma_wait3A_317 = arith.constant 0 : i32
      %dma_wait3A_318 = tpu.memref_slice %arg3[%mul3A_2, %dma_wait3A_317] : memref<1600x128xi32, #tpu.memory_space<hbm>> -> memref<50x128xi32, #tpu.memory_space<hbm>>
      tpu.wait_dma2 semaphore(%run_scoped3A : memref<!tpu.dma_semaphore, #tpu.memory_space<semaphore_mem>>) src(%dma_wait3A_318 : memref<50x128xi32, #tpu.memory_space<hbm>>) dst(%arg6 : memref<50x128xi32, #tpu.memory_space<vmem>>)
      tpu.yield
    }) : () -> ()
    "tpu.region"() ({
      %run_scoped3A = tpu.sem_alloc : memref<!tpu.dma_semaphore, #tpu.memory_space<semaphore_mem>>
      %dma_start3A_311 = arith.constant 0 : i32
      %dma_start3A_312 = tpu.memref_slice %arg4[%mul3A_2, %dma_start3A_311] : memref<1600x128xf32, #tpu.memory_space<hbm>> -> memref<50x128xf32, #tpu.memory_space<hbm>>
      %dma_start3A_313 = arith.constant 0 : i32
      %dma_start3A_314 = tpu.memref_slice %arg4[%mul3A_2, %dma_start3A_313] : memref<1600x128xf32, #tpu.memory_space<hbm>> -> memref<50x128xf32, #tpu.memory_space<hbm>>
      tpu.enqueue_dma source(%dma_start3A_314 : memref<50x128xf32, #tpu.memory_space<hbm>>) target(%arg7 : memref<50x128xf32, #tpu.memory_space<vmem>>) target_semaphore(%run_scoped3A : memref<!tpu.dma_semaphore, #tpu.memory_space<semaphore_mem>>)
      %dma_wait3A_315 = arith.constant 0 : i32
      %dma_wait3A_316 = tpu.memref_slice %arg4[%mul3A_2, %dma_wait3A_315] : memref<1600x128xf32, #tpu.memory_space<hbm>> -> memref<50x128xf32, #tpu.memory_space<hbm>>
      %dma_wait3A_317 = arith.constant 0 : i32
      %dma_wait3A_318 = tpu.memref_slice %arg4[%mul3A_2, %dma_wait3A_317] : memref<1600x128xf32, #tpu.memory_space<hbm>> -> memref<50x128xf32, #tpu.memory_space<hbm>>
      tpu.wait_dma2 semaphore(%run_scoped3A : memref<!tpu.dma_semaphore, #tpu.memory_space<semaphore_mem>>) src(%dma_wait3A_318 : memref<50x128xf32, #tpu.memory_space<hbm>>) dst(%arg7 : memref<50x128xf32, #tpu.memory_space<vmem>>)
      tpu.yield
    }) : () -> ()
    %dma_start3A = arith.constant 0 : i32
    %dma_start3A_3 = arith.constant 0 : i32
    %dma_start3A_4 = arith.constant 0 : i32
    %dma_start3A_5 = tpu.memref_slice %arg6[%dma_start3A, %dma_start3A_4] : memref<50x128xi32, #tpu.memory_space<vmem>> -> memref<1x128xi32, #tpu.memory_space<vmem>>
    %dma_start3A_6 = tpu.memref_squeeze %dma_start3A_5 : memref<1x128xi32, #tpu.memory_space<vmem>> -> memref<128xi32, #tpu.memory_space<vmem>>
    %dma_start3A_7 = arith.constant 0 : i32
    %dma_start3A_8 = arith.constant 0 : i32
    %dma_start3A_9 = tpu.memref_slice %arg2[%dma_start3A_7, %dma_start3A_8] : memref<100000x64xf32, #tpu.memory_space<hbm>> -> memref<100000x64xf32, #tpu.memory_space<hbm>>
    %dma_start3A_10 = tpu.memref_slice %arg18[%dma_start3A_3] : memref<5x!tpu.dma_semaphore, #tpu.memory_space<semaphore_mem>> -> memref<1x!tpu.dma_semaphore, #tpu.memory_space<semaphore_mem>>
    %dma_start3A_11 = tpu.memref_squeeze %dma_start3A_10 : memref<1x!tpu.dma_semaphore, #tpu.memory_space<semaphore_mem>> -> memref<!tpu.dma_semaphore, #tpu.memory_space<semaphore_mem>>
    tpu.enqueue_indirect_dma source(%dma_start3A_9 : memref<100000x64xf32, #tpu.memory_space<hbm>>) target(%arg8 : memref<128x64xf32, #tpu.memory_space<vmem>>) offsets(%dma_start3A_6 : memref<128xi32, #tpu.memory_space<vmem>>) semaphore(%dma_start3A_11 : memref<!tpu.dma_semaphore, #tpu.memory_space<semaphore_mem>>)
    %dma_start3A_12 = arith.constant 1 : i32
    %dma_start3A_13 = arith.constant 1 : i32
    %dma_start3A_14 = arith.constant 0 : i32
    %dma_start3A_15 = tpu.memref_slice %arg6[%dma_start3A_12, %dma_start3A_14] : memref<50x128xi32, #tpu.memory_space<vmem>> -> memref<1x128xi32, #tpu.memory_space<vmem>>
    %dma_start3A_16 = tpu.memref_squeeze %dma_start3A_15 : memref<1x128xi32, #tpu.memory_space<vmem>> -> memref<128xi32, #tpu.memory_space<vmem>>
    %dma_start3A_17 = arith.constant 0 : i32
    %dma_start3A_18 = arith.constant 0 : i32
    %dma_start3A_19 = tpu.memref_slice %arg2[%dma_start3A_17, %dma_start3A_18] : memref<100000x64xf32, #tpu.memory_space<hbm>> -> memref<100000x64xf32, #tpu.memory_space<hbm>>
    %dma_start3A_20 = tpu.memref_slice %arg18[%dma_start3A_13] : memref<5x!tpu.dma_semaphore, #tpu.memory_space<semaphore_mem>> -> memref<1x!tpu.dma_semaphore, #tpu.memory_space<semaphore_mem>>
    %dma_start3A_21 = tpu.memref_squeeze %dma_start3A_20 : memref<1x!tpu.dma_semaphore, #tpu.memory_space<semaphore_mem>> -> memref<!tpu.dma_semaphore, #tpu.memory_space<semaphore_mem>>
    tpu.enqueue_indirect_dma source(%dma_start3A_19 : memref<100000x64xf32, #tpu.memory_space<hbm>>) target(%arg9 : memref<128x64xf32, #tpu.memory_space<vmem>>) offsets(%dma_start3A_16 : memref<128xi32, #tpu.memory_space<vmem>>) semaphore(%dma_start3A_21 : memref<!tpu.dma_semaphore, #tpu.memory_space<semaphore_mem>>)
    %dma_start3A_22 = arith.constant 2 : i32
    %dma_start3A_23 = arith.constant 2 : i32
    %dma_start3A_24 = arith.constant 0 : i32
    %dma_start3A_25 = tpu.memref_slice %arg6[%dma_start3A_22, %dma_start3A_24] : memref<50x128xi32, #tpu.memory_space<vmem>> -> memref<1x128xi32, #tpu.memory_space<vmem>>
    %dma_start3A_26 = tpu.memref_squeeze %dma_start3A_25 : memref<1x128xi32, #tpu.memory_space<vmem>> -> memref<128xi32, #tpu.memory_space<vmem>>
    %dma_start3A_27 = arith.constant 0 : i32
    %dma_start3A_28 = arith.constant 0 : i32
    %dma_start3A_29 = tpu.memref_slice %arg2[%dma_start3A_27, %dma_start3A_28] : memref<100000x64xf32, #tpu.memory_space<hbm>> -> memref<100000x64xf32, #tpu.memory_space<hbm>>
    %dma_start3A_30 = tpu.memref_slice %arg18[%dma_start3A_23] : memref<5x!tpu.dma_semaphore, #tpu.memory_space<semaphore_mem>> -> memref<1x!tpu.dma_semaphore, #tpu.memory_space<semaphore_mem>>
    %dma_start3A_31 = tpu.memref_squeeze %dma_start3A_30 : memref<1x!tpu.dma_semaphore, #tpu.memory_space<semaphore_mem>> -> memref<!tpu.dma_semaphore, #tpu.memory_space<semaphore_mem>>
    tpu.enqueue_indirect_dma source(%dma_start3A_29 : memref<100000x64xf32, #tpu.memory_space<hbm>>) target(%arg10 : memref<128x64xf32, #tpu.memory_space<vmem>>) offsets(%dma_start3A_26 : memref<128xi32, #tpu.memory_space<vmem>>) semaphore(%dma_start3A_31 : memref<!tpu.dma_semaphore, #tpu.memory_space<semaphore_mem>>)
    %dma_start3A_32 = arith.constant 3 : i32
    %dma_start3A_33 = arith.constant 3 : i32
    %dma_start3A_34 = arith.constant 0 : i32
    %dma_start3A_35 = tpu.memref_slice %arg6[%dma_start3A_32, %dma_start3A_34] : memref<50x128xi32, #tpu.memory_space<vmem>> -> memref<1x128xi32, #tpu.memory_space<vmem>>
    %dma_start3A_36 = tpu.memref_squeeze %dma_start3A_35 : memref<1x128xi32, #tpu.memory_space<vmem>> -> memref<128xi32, #tpu.memory_space<vmem>>
    %dma_start3A_37 = arith.constant 0 : i32
    %dma_start3A_38 = arith.constant 0 : i32
    %dma_start3A_39 = tpu.memref_slice %arg2[%dma_start3A_37, %dma_start3A_38] : memref<100000x64xf32, #tpu.memory_space<hbm>> -> memref<100000x64xf32, #tpu.memory_space<hbm>>
    %dma_start3A_40 = tpu.memref_slice %arg18[%dma_start3A_33] : memref<5x!tpu.dma_semaphore, #tpu.memory_space<semaphore_mem>> -> memref<1x!tpu.dma_semaphore, #tpu.memory_space<semaphore_mem>>
    %dma_start3A_41 = tpu.memref_squeeze %dma_start3A_40 : memref<1x!tpu.dma_semaphore, #tpu.memory_space<semaphore_mem>> -> memref<!tpu.dma_semaphore, #tpu.memory_space<semaphore_mem>>
    tpu.enqueue_indirect_dma source(%dma_start3A_39 : memref<100000x64xf32, #tpu.memory_space<hbm>>) target(%arg11 : memref<128x64xf32, #tpu.memory_space<vmem>>) offsets(%dma_start3A_36 : memref<128xi32, #tpu.memory_space<vmem>>) semaphore(%dma_start3A_41 : memref<!tpu.dma_semaphore, #tpu.memory_space<semaphore_mem>>)
    %scan3A = arith.constant 0 : i32
    %scan3A_42 = arith.constant 0 : i32
    %scan3A_43 = arith.constant 10 : i32
    %scan3A_44 = arith.addi %scan3A_42, %scan3A_43 : i32
    %scan3A_45 = arith.constant 1 : i32
    scf.for %scan3A_311 = %scan3A_42 to %scan3A_44 step %scan3A_45  : i32 {
      %mul3A_312 = arith.constant 5 : i32
      %mul3A_313 = arith.muli %scan3A_311, %mul3A_312 : i32
      %add3A_314 = arith.constant 0 : i32
      %add3A_315 = arith.addi %mul3A_313, %add3A_314 : i32
      %add3A_316 = arith.addi %mul3A_2, %add3A_315 : i32
      %jit3A_317 = arith.constant 8 : i32
      %div3A_318 = arith.divsi %add3A_316, %jit3A_317 : i32
      %sign3A_319 = arith.constant 0 : i32
      %sign3A_320 = arith.cmpi sgt, %add3A_316, %sign3A_319 : i32
      %sign3A_321 = arith.extui %sign3A_320 : i1 to i32
      %sign3A_322 = arith.constant 0 : i32
      %sign3A_323 = arith.cmpi slt, %add3A_316, %sign3A_322 : i32
      %sign3A_324 = arith.extui %sign3A_323 : i1 to i32
      %sign3A_325 = arith.subi %sign3A_321, %sign3A_324 : i32
      %sign3A_326 = arith.constant 0 : i32
      %sign3A_327 = arith.cmpi sgt, %jit3A_317, %sign3A_326 : i32
      %sign3A_328 = arith.extui %sign3A_327 : i1 to i32
      %sign3A_329 = arith.constant 0 : i32
      %sign3A_330 = arith.cmpi slt, %jit3A_317, %sign3A_329 : i32
      %sign3A_331 = arith.extui %sign3A_330 : i1 to i32
      %sign3A_332 = arith.subi %sign3A_328, %sign3A_331 : i32
      %ne3A_333 = arith.cmpi ne, %sign3A_325, %sign3A_332 : i32
      %rem3A_334 = arith.remsi %add3A_316, %jit3A_317 : i32
      %ne3A_335 = arith.constant 0 : i32
      %ne3A_336 = arith.cmpi ne, %rem3A_334, %ne3A_335 : i32
      %and3A_337 = arith.andi %ne3A_333, %ne3A_336 : i1
      %sub3A_338 = arith.constant 1 : i32
      %sub3A_339 = arith.subi %div3A_318, %sub3A_338 : i32
      %select_n3A_340 = arith.select %and3A_337, %sub3A_339, %div3A_318 : i32
      %jit3A_341 = arith.constant 8 : i32
      %eq3A_342 = arith.constant 0 : i32
      %eq3A_343 = arith.cmpi eq, %jit3A_341, %eq3A_342 : i32
      %jit3A_344 = arith.constant 1 : i32
      %select_n3A_345 = arith.select %eq3A_343, %jit3A_344, %jit3A_341 : i32
      %rem3A_346 = arith.remsi %add3A_316, %select_n3A_345 : i32
      %ne3A_347 = arith.constant 0 : i32
      %ne3A_348 = arith.cmpi ne, %rem3A_346, %ne3A_347 : i32
      %lt3A_349 = arith.constant 0 : i32
      %lt3A_350 = arith.cmpi slt, %rem3A_346, %lt3A_349 : i32
      %lt3A_351 = arith.constant 0 : i32
      %lt3A_352 = arith.cmpi slt, %select_n3A_345, %lt3A_351 : i32
      %ne3A_353 = arith.xori %lt3A_350, %lt3A_352 : i1
      %and3A_354 = arith.andi %ne3A_353, %ne3A_348 : i1
      %add3A_355 = arith.addi %rem3A_346, %select_n3A_345 : i32
      %select_n3A_356 = arith.select %and3A_354, %add3A_355, %rem3A_346 : i32
      %dma_wait3A_357 = arith.constant 0 : i32
      %dma_wait3A_358 = arith.constant 0 : i32
      %dma_wait3A_359 = tpu.memref_slice %arg6[%add3A_315, %dma_wait3A_358] : memref<50x128xi32, #tpu.memory_space<vmem>> -> memref<1x128xi32, #tpu.memory_space<vmem>>
      %dma_wait3A_360 = tpu.memref_squeeze %dma_wait3A_359 : memref<1x128xi32, #tpu.memory_space<vmem>> -> memref<128xi32, #tpu.memory_space<vmem>>
      %dma_wait3A_361 = arith.constant 0 : i32
      %dma_wait3A_362 = arith.constant 0 : i32
      %dma_wait3A_363 = tpu.memref_slice %arg2[%dma_wait3A_361, %dma_wait3A_362] : memref<100000x64xf32, #tpu.memory_space<hbm>> -> memref<100000x64xf32, #tpu.memory_space<hbm>>
      %dma_wait3A_364 = tpu.memref_slice %arg18[%dma_wait3A_357] : memref<5x!tpu.dma_semaphore, #tpu.memory_space<semaphore_mem>> -> memref<1x!tpu.dma_semaphore, #tpu.memory_space<semaphore_mem>>
      %dma_wait3A_365 = tpu.memref_squeeze %dma_wait3A_364 : memref<1x!tpu.dma_semaphore, #tpu.memory_space<semaphore_mem>> -> memref<!tpu.dma_semaphore, #tpu.memory_space<semaphore_mem>>
      tpu.wait_indirect_dma semaphore(%dma_wait3A_365 : memref<!tpu.dma_semaphore, #tpu.memory_space<semaphore_mem>>) src(%dma_wait3A_363 : memref<100000x64xf32, #tpu.memory_space<hbm>>) dst(%arg8 : memref<128x64xf32, #tpu.memory_space<vmem>>)
      %gt3A = arith.constant 0 : i32
      %gt3A_366 = arith.cmpi sgt, %scan3A_311, %gt3A : i32
      %convert_element_type3A = arith.extui %gt3A_366 : i1 to i32
      %cond3A = arith.constant 0 : i32
      %cond3A_367 = arith.cmpi ne, %convert_element_type3A, %cond3A : i32
      scf.if %cond3A_367 {
        %dma_wait3A_753 = arith.constant 0 : i32
        %dma_wait3A_754 = arith.constant 0 : i32
        %dma_wait3A_755 = arith.constant 0 : i32
        %dma_wait3A_756 = arith.constant 0 : i32
        %dma_wait3A_757 = tpu.memref_slice %arg5[%select_n3A_340, %dma_wait3A_754, %select_n3A_356, %dma_wait3A_755, %dma_wait3A_756] : memref<200x8x8x8x128xf32, #tpu.memory_space<hbm>> -> memref<1x8x1x8x128xf32, #tpu.memory_space<hbm>>
        %dma_wait3A_758 = tpu.memref_squeeze %dma_wait3A_757 : memref<1x8x1x8x128xf32, #tpu.memory_space<hbm>> -> memref<8x8x128xf32, #tpu.memory_space<hbm>>
        %dma_wait3A_759 = tpu.memref_slice %arg19[%dma_wait3A_753] : memref<5x!tpu.dma_semaphore, #tpu.memory_space<semaphore_mem>> -> memref<1x!tpu.dma_semaphore, #tpu.memory_space<semaphore_mem>>
        %dma_wait3A_760 = tpu.memref_squeeze %dma_wait3A_759 : memref<1x!tpu.dma_semaphore, #tpu.memory_space<semaphore_mem>> -> memref<!tpu.dma_semaphore, #tpu.memory_space<semaphore_mem>>
        %dma_wait3A_761 = arith.constant 0 : i32
        %dma_wait3A_762 = arith.constant 0 : i32
        %dma_wait3A_763 = arith.constant 0 : i32
        %dma_wait3A_764 = tpu.memref_slice %arg5[%select_n3A_340, %dma_wait3A_761, %select_n3A_356, %dma_wait3A_762, %dma_wait3A_763] : memref<200x8x8x8x128xf32, #tpu.memory_space<hbm>> -> memref<1x8x1x8x128xf32, #tpu.memory_space<hbm>>
        %dma_wait3A_765 = tpu.memref_squeeze %dma_wait3A_764 : memref<1x8x1x8x128xf32, #tpu.memory_space<hbm>> -> memref<8x8x128xf32, #tpu.memory_space<hbm>>
        tpu.wait_dma2 semaphore(%dma_wait3A_760 : memref<!tpu.dma_semaphore, #tpu.memory_space<semaphore_mem>>) src(%arg13 : memref<8x8x128xf32, #tpu.memory_space<vmem>>) dst(%dma_wait3A_765 : memref<8x8x128xf32, #tpu.memory_space<hbm>>)
      } else {
      }
      %scan3A_368 = arith.constant 0 : i32
      %scan3A_369 = arith.constant 0 : i32
      %scan3A_370 = arith.constant 8 : i32
      %scan3A_371 = arith.addi %scan3A_369, %scan3A_370 : i32
      %scan3A_372 = arith.constant 1 : i32
      scf.for %scan3A_753 = %scan3A_369 to %scan3A_371 step %scan3A_372  : i32 {
        %iota3A = tpu.iota {dimensions = array<i32: 0>} : vector<16xi32>
        %mul3A_754 = arith.constant 16 : i32
        %mul3A_755 = arith.muli %scan3A_753, %mul3A_754 : i32
        %add3A_756 = vector.broadcast %mul3A_755 : i32 to vector<16xi32>
        %add3A_757 = arith.addi %add3A_756, %iota3A : vector<16xi32>
        %mul3A_758 = arith.constant 16 : i32
        %mul3A_759 = arith.muli %scan3A_753, %mul3A_758 : i32
        %get3A = arith.index_cast %add3A_315 : i32 to index
        %get3A_760 = arith.index_cast %mul3A_759 : i32 to index
        %get3A_761 = tpu.vector_load %arg7[%get3A, %get3A_760] {strides = array<i32>} : memref<50x128xf32, #tpu.memory_space<vmem>>, vector<16xf32>,
        %parallel_loop3A = arith.constant 0 : i32
        %parallel_loop3A_762 = arith.constant 64 : i32
        %parallel_loop3A_763 = arith.constant 1 : i32
        scf.for %parallel_loop3A_764 = %parallel_loop3A to %parallel_loop3A_762 step %parallel_loop3A_763  : i32 {
          %parallel_loop3A_765 = vector.broadcast %parallel_loop3A_764 : i32 to vector<16xi32>
          %parallel_loop3A_766 = arith.addi %parallel_loop3A_765, %iota3A : vector<16xi32>
          %parallel_loop3A_767 = arith.constant 63 : i32
          %parallel_loop3A_768 = vector.broadcast %parallel_loop3A_767 : i32 to vector<16xi32>
          %parallel_loop3A_769 = arith.andi %parallel_loop3A_766, %parallel_loop3A_768 : vector<16xi32>
          %parallel_loop3A_770 = tpu.vector_load_idx %arg8[%add3A_757, %parallel_loop3A_769] : memref<128x64xf32, #tpu.memory_space<vmem>>[vector<16xi32>, vector<16xi32>], vector<16xf32>,
          %parallel_loop3A_771 = arith.constant 3 : i32
          %parallel_loop3A_772 = vector.broadcast %parallel_loop3A_771 : i32 to vector<16xi32>
          %parallel_loop3A_773 = arith.shrsi %parallel_loop3A_769, %parallel_loop3A_772 : vector<16xi32>
          %parallel_loop3A_774 = arith.constant 7 : i32
          %parallel_loop3A_775 = vector.broadcast %parallel_loop3A_774 : i32 to vector<16xi32>
          %parallel_loop3A_776 = arith.andi %parallel_loop3A_769, %parallel_loop3A_775 : vector<16xi32>
          %parallel_loop3A_777 = arith.mulf %parallel_loop3A_770, %get3A_761 : vector<16xf32>
          tpu.vector_store_idx %arg13[%parallel_loop3A_773, %parallel_loop3A_776, %add3A_757], %parallel_loop3A_777 : memref<8x8x128xf32, #tpu.memory_space<vmem>>[vector<16xi32>, vector<16xi32>, vector<16xi32>], vector<16xf32>,
        } {sc.loop_unroll_factor = 8 : i64, sc.parallel_access}
      }
      %scan3A_373 = arith.constant 8 : i32
      %dma_start3A_374 = arith.constant 0 : i32
      %dma_start3A_375 = arith.constant 0 : i32
      %dma_start3A_376 = arith.constant 0 : i32
      %dma_start3A_377 = arith.constant 0 : i32
      %dma_start3A_378 = tpu.memref_slice %arg5[%select_n3A_340, %dma_start3A_375, %select_n3A_356, %dma_start3A_376, %dma_start3A_377] : memref<200x8x8x8x128xf32, #tpu.memory_space<hbm>> -> memref<1x8x1x8x128xf32, #tpu.memory_space<hbm>>
      %dma_start3A_379 = tpu.memref_squeeze %dma_start3A_378 : memref<1x8x1x8x128xf32, #tpu.memory_space<hbm>> -> memref<8x8x128xf32, #tpu.memory_space<hbm>>
      %dma_start3A_380 = tpu.memref_slice %arg19[%dma_start3A_374] : memref<5x!tpu.dma_semaphore, #tpu.memory_space<semaphore_mem>> -> memref<1x!tpu.dma_semaphore, #tpu.memory_space<semaphore_mem>>
      %dma_start3A_381 = tpu.memref_squeeze %dma_start3A_380 : memref<1x!tpu.dma_semaphore, #tpu.memory_space<semaphore_mem>> -> memref<!tpu.dma_semaphore, #tpu.memory_space<semaphore_mem>>
      %dma_start3A_382 = arith.constant 0 : i32
      %dma_start3A_383 = arith.constant 0 : i32
      %dma_start3A_384 = arith.constant 0 : i32
      %dma_start3A_385 = tpu.memref_slice %arg5[%select_n3A_340, %dma_start3A_382, %select_n3A_356, %dma_start3A_383, %dma_start3A_384] : memref<200x8x8x8x128xf32, #tpu.memory_space<hbm>> -> memref<1x8x1x8x128xf32, #tpu.memory_space<hbm>>
      %dma_start3A_386 = tpu.memref_squeeze %dma_start3A_385 : memref<1x8x1x8x128xf32, #tpu.memory_space<hbm>> -> memref<8x8x128xf32, #tpu.memory_space<hbm>>
      tpu.enqueue_dma source(%arg13 : memref<8x8x128xf32, #tpu.memory_space<vmem>>) target(%dma_start3A_386 : memref<8x8x128xf32, #tpu.memory_space<hbm>>) target_semaphore(%dma_start3A_381 : memref<!tpu.dma_semaphore, #tpu.memory_space<semaphore_mem>>)
      %add3A_387 = arith.constant 4 : i32
      %add3A_388 = arith.addi %add3A_315, %add3A_387 : i32
      %min3A = arith.constant 49 : i32
      %min3A_389 = arith.minsi %add3A_388, %min3A : i32
      %add3A_390 = arith.constant 4 : i32
      %add3A_391 = arith.addi %add3A_315, %add3A_390 : i32
      %lt3A_392 = arith.constant 50 : i32
      %lt3A_393 = arith.cmpi slt, %add3A_391, %lt3A_392 : i32
      %convert_element_type3A_394 = arith.extui %lt3A_393 : i1 to i32
      %cond3A_395 = arith.constant 0 : i32
      %cond3A_396 = arith.cmpi ne, %convert_element_type3A_394, %cond3A_395 : i32
      scf.if %cond3A_396 {
        %dma_start3A_753 = arith.constant 4 : i32
        %dma_start3A_754 = arith.constant 0 : i32
        %dma_start3A_755 = tpu.memref_slice %arg6[%min3A_389, %dma_start3A_754] : memref<50x128xi32, #tpu.memory_space<vmem>> -> memref<1x128xi32, #tpu.memory_space<vmem>>
        %dma_start3A_756 = tpu.memref_squeeze %dma_start3A_755 : memref<1x128xi32, #tpu.memory_space<vmem>> -> memref<128xi32, #tpu.memory_space<vmem>>
        %dma_start3A_757 = arith.constant 0 : i32
        %dma_start3A_758 = arith.constant 0 : i32
        %dma_start3A_759 = tpu.memref_slice %arg2[%dma_start3A_757, %dma_start3A_758] : memref<100000x64xf32, #tpu.memory_space<hbm>> -> memref<100000x64xf32, #tpu.memory_space<hbm>>
        %dma_start3A_760 = tpu.memref_slice %arg18[%dma_start3A_753] : memref<5x!tpu.dma_semaphore, #tpu.memory_space<semaphore_mem>> -> memref<1x!tpu.dma_semaphore, #tpu.memory_space<semaphore_mem>>
        %dma_start3A_761 = tpu.memref_squeeze %dma_start3A_760 : memref<1x!tpu.dma_semaphore, #tpu.memory_space<semaphore_mem>> -> memref<!tpu.dma_semaphore, #tpu.memory_space<semaphore_mem>>
        tpu.enqueue_indirect_dma source(%dma_start3A_759 : memref<100000x64xf32, #tpu.memory_space<hbm>>) target(%arg12 : memref<128x64xf32, #tpu.memory_space<vmem>>) offsets(%dma_start3A_756 : memref<128xi32, #tpu.memory_space<vmem>>) semaphore(%dma_start3A_761 : memref<!tpu.dma_semaphore, #tpu.memory_space<semaphore_mem>>)
      } else {
      }
      %mul3A_397 = arith.constant 5 : i32
      %mul3A_398 = arith.muli %scan3A_311, %mul3A_397 : i32
      %add3A_399 = arith.constant 1 : i32
      %add3A_400 = arith.addi %mul3A_398, %add3A_399 : i32
      %add3A_401 = arith.addi %mul3A_2, %add3A_400 : i32
      %jit3A_402 = arith.constant 8 : i32
      %div3A_403 = arith.divsi %add3A_401, %jit3A_402 : i32
      %sign3A_404 = arith.constant 0 : i32
      %sign3A_405 = arith.cmpi sgt, %add3A_401, %sign3A_404 : i32
      %sign3A_406 = arith.extui %sign3A_405 : i1 to i32
      %sign3A_407 = arith.constant 0 : i32
      %sign3A_408 = arith.cmpi slt, %add3A_401, %sign3A_407 : i32
      %sign3A_409 = arith.extui %sign3A_408 : i1 to i32
      %sign3A_410 = arith.subi %sign3A_406, %sign3A_409 : i32
      %sign3A_411 = arith.constant 0 : i32
      %sign3A_412 = arith.cmpi sgt, %jit3A_402, %sign3A_411 : i32
      %sign3A_413 = arith.extui %sign3A_412 : i1 to i32
      %sign3A_414 = arith.constant 0 : i32
      %sign3A_415 = arith.cmpi slt, %jit3A_402, %sign3A_414 : i32
      %sign3A_416 = arith.extui %sign3A_415 : i1 to i32
      %sign3A_417 = arith.subi %sign3A_413, %sign3A_416 : i32
      %ne3A_418 = arith.cmpi ne, %sign3A_410, %sign3A_417 : i32
      %rem3A_419 = arith.remsi %add3A_401, %jit3A_402 : i32
      %ne3A_420 = arith.constant 0 : i32
      %ne3A_421 = arith.cmpi ne, %rem3A_419, %ne3A_420 : i32
      %and3A_422 = arith.andi %ne3A_418, %ne3A_421 : i1
      %sub3A_423 = arith.constant 1 : i32
      %sub3A_424 = arith.subi %div3A_403, %sub3A_423 : i32
      %select_n3A_425 = arith.select %and3A_422, %sub3A_424, %div3A_403 : i32
      %jit3A_426 = arith.constant 8 : i32
      %eq3A_427 = arith.constant 0 : i32
      %eq3A_428 = arith.cmpi eq, %jit3A_426, %eq3A_427 : i32
      %jit3A_429 = arith.constant 1 : i32
      %select_n3A_430 = arith.select %eq3A_428, %jit3A_429, %jit3A_426 : i32
      %rem3A_431 = arith.remsi %add3A_401, %select_n3A_430 : i32
      %ne3A_432 = arith.constant 0 : i32
      %ne3A_433 = arith.cmpi ne, %rem3A_431, %ne3A_432 : i32
      %lt3A_434 = arith.constant 0 : i32
      %lt3A_435 = arith.cmpi slt, %rem3A_431, %lt3A_434 : i32
      %lt3A_436 = arith.constant 0 : i32
      %lt3A_437 = arith.cmpi slt, %select_n3A_430, %lt3A_436 : i32
      %ne3A_438 = arith.xori %lt3A_435, %lt3A_437 : i1
      %and3A_439 = arith.andi %ne3A_438, %ne3A_433 : i1
      %add3A_440 = arith.addi %rem3A_431, %select_n3A_430 : i32
      %select_n3A_441 = arith.select %and3A_439, %add3A_440, %rem3A_431 : i32
      %dma_wait3A_442 = arith.constant 1 : i32
      %dma_wait3A_443 = arith.constant 0 : i32
      %dma_wait3A_444 = tpu.memref_slice %arg6[%add3A_400, %dma_wait3A_443] : memref<50x128xi32, #tpu.memory_space<vmem>> -> memref<1x128xi32, #tpu.memory_space<vmem>>
      %dma_wait3A_445 = tpu.memref_squeeze %dma_wait3A_444 : memref<1x128xi32, #tpu.memory_space<vmem>> -> memref<128xi32, #tpu.memory_space<vmem>>
      %dma_wait3A_446 = arith.constant 0 : i32
      %dma_wait3A_447 = arith.constant 0 : i32
      %dma_wait3A_448 = tpu.memref_slice %arg2[%dma_wait3A_446, %dma_wait3A_447] : memref<100000x64xf32, #tpu.memory_space<hbm>> -> memref<100000x64xf32, #tpu.memory_space<hbm>>
      %dma_wait3A_449 = tpu.memref_slice %arg18[%dma_wait3A_442] : memref<5x!tpu.dma_semaphore, #tpu.memory_space<semaphore_mem>> -> memref<1x!tpu.dma_semaphore, #tpu.memory_space<semaphore_mem>>
      %dma_wait3A_450 = tpu.memref_squeeze %dma_wait3A_449 : memref<1x!tpu.dma_semaphore, #tpu.memory_space<semaphore_mem>> -> memref<!tpu.dma_semaphore, #tpu.memory_space<semaphore_mem>>
      tpu.wait_indirect_dma semaphore(%dma_wait3A_450 : memref<!tpu.dma_semaphore, #tpu.memory_space<semaphore_mem>>) src(%dma_wait3A_448 : memref<100000x64xf32, #tpu.memory_space<hbm>>) dst(%arg9 : memref<128x64xf32, #tpu.memory_space<vmem>>)
      %gt3A_451 = arith.constant 0 : i32
      %gt3A_452 = arith.cmpi sgt, %scan3A_311, %gt3A_451 : i32
      %convert_element_type3A_453 = arith.extui %gt3A_452 : i1 to i32
      %cond3A_454 = arith.constant 0 : i32
      %cond3A_455 = arith.cmpi ne, %convert_element_type3A_453, %cond3A_454 : i32
      scf.if %cond3A_455 {
        %dma_wait3A_753 = arith.constant 1 : i32
        %dma_wait3A_754 = arith.constant 0 : i32
        %dma_wait3A_755 = arith.constant 0 : i32
        %dma_wait3A_756 = arith.constant 0 : i32
        %dma_wait3A_757 = tpu.memref_slice %arg5[%select_n3A_425, %dma_wait3A_754, %select_n3A_441, %dma_wait3A_755, %dma_wait3A_756] : memref<200x8x8x8x128xf32, #tpu.memory_space<hbm>> -> memref<1x8x1x8x128xf32, #tpu.memory_space<hbm>>
        %dma_wait3A_758 = tpu.memref_squeeze %dma_wait3A_757 : memref<1x8x1x8x128xf32, #tpu.memory_space<hbm>> -> memref<8x8x128xf32, #tpu.memory_space<hbm>>
        %dma_wait3A_759 = tpu.memref_slice %arg19[%dma_wait3A_753] : memref<5x!tpu.dma_semaphore, #tpu.memory_space<semaphore_mem>> -> memref<1x!tpu.dma_semaphore, #tpu.memory_space<semaphore_mem>>
        %dma_wait3A_760 = tpu.memref_squeeze %dma_wait3A_759 : memref<1x!tpu.dma_semaphore, #tpu.memory_space<semaphore_mem>> -> memref<!tpu.dma_semaphore, #tpu.memory_space<semaphore_mem>>
        %dma_wait3A_761 = arith.constant 0 : i32
        %dma_wait3A_762 = arith.constant 0 : i32
        %dma_wait3A_763 = arith.constant 0 : i32
        %dma_wait3A_764 = tpu.memref_slice %arg5[%select_n3A_425, %dma_wait3A_761, %select_n3A_441, %dma_wait3A_762, %dma_wait3A_763] : memref<200x8x8x8x128xf32, #tpu.memory_space<hbm>> -> memref<1x8x1x8x128xf32, #tpu.memory_space<hbm>>
        %dma_wait3A_765 = tpu.memref_squeeze %dma_wait3A_764 : memref<1x8x1x8x128xf32, #tpu.memory_space<hbm>> -> memref<8x8x128xf32, #tpu.memory_space<hbm>>
        tpu.wait_dma2 semaphore(%dma_wait3A_760 : memref<!tpu.dma_semaphore, #tpu.memory_space<semaphore_mem>>) src(%arg14 : memref<8x8x128xf32, #tpu.memory_space<vmem>>) dst(%dma_wait3A_765 : memref<8x8x128xf32, #tpu.memory_space<hbm>>)
      } else {
      }
      %scan3A_456 = arith.constant 0 : i32
      %scan3A_457 = arith.constant 0 : i32
      %scan3A_458 = arith.constant 8 : i32
      %scan3A_459 = arith.addi %scan3A_457, %scan3A_458 : i32
      %scan3A_460 = arith.constant 1 : i32
      scf.for %scan3A_753 = %scan3A_457 to %scan3A_459 step %scan3A_460  : i32 {
        %iota3A = tpu.iota {dimensions = array<i32: 0>} : vector<16xi32>
        %mul3A_754 = arith.constant 16 : i32
        %mul3A_755 = arith.muli %scan3A_753, %mul3A_754 : i32
        %add3A_756 = vector.broadcast %mul3A_755 : i32 to vector<16xi32>
        %add3A_757 = arith.addi %add3A_756, %iota3A : vector<16xi32>
        %mul3A_758 = arith.constant 16 : i32
        %mul3A_759 = arith.muli %scan3A_753, %mul3A_758 : i32
        %get3A = arith.index_cast %add3A_400 : i32 to index
        %get3A_760 = arith.index_cast %mul3A_759 : i32 to index
        %get3A_761 = tpu.vector_load %arg7[%get3A, %get3A_760] {strides = array<i32>} : memref<50x128xf32, #tpu.memory_space<vmem>>, vector<16xf32>,
        %parallel_loop3A = arith.constant 0 : i32
        %parallel_loop3A_762 = arith.constant 64 : i32
        %parallel_loop3A_763 = arith.constant 1 : i32
        scf.for %parallel_loop3A_764 = %parallel_loop3A to %parallel_loop3A_762 step %parallel_loop3A_763  : i32 {
          %parallel_loop3A_765 = vector.broadcast %parallel_loop3A_764 : i32 to vector<16xi32>
          %parallel_loop3A_766 = arith.addi %parallel_loop3A_765, %iota3A : vector<16xi32>
          %parallel_loop3A_767 = arith.constant 63 : i32
          %parallel_loop3A_768 = vector.broadcast %parallel_loop3A_767 : i32 to vector<16xi32>
          %parallel_loop3A_769 = arith.andi %parallel_loop3A_766, %parallel_loop3A_768 : vector<16xi32>
          %parallel_loop3A_770 = tpu.vector_load_idx %arg9[%add3A_757, %parallel_loop3A_769] : memref<128x64xf32, #tpu.memory_space<vmem>>[vector<16xi32>, vector<16xi32>], vector<16xf32>,
          %parallel_loop3A_771 = arith.constant 3 : i32
          %parallel_loop3A_772 = vector.broadcast %parallel_loop3A_771 : i32 to vector<16xi32>
          %parallel_loop3A_773 = arith.shrsi %parallel_loop3A_769, %parallel_loop3A_772 : vector<16xi32>
          %parallel_loop3A_774 = arith.constant 7 : i32
          %parallel_loop3A_775 = vector.broadcast %parallel_loop3A_774 : i32 to vector<16xi32>
          %parallel_loop3A_776 = arith.andi %parallel_loop3A_769, %parallel_loop3A_775 : vector<16xi32>
          %parallel_loop3A_777 = arith.mulf %parallel_loop3A_770, %get3A_761 : vector<16xf32>
          tpu.vector_store_idx %arg14[%parallel_loop3A_773, %parallel_loop3A_776, %add3A_757], %parallel_loop3A_777 : memref<8x8x128xf32, #tpu.memory_space<vmem>>[vector<16xi32>, vector<16xi32>, vector<16xi32>], vector<16xf32>,
        } {sc.loop_unroll_factor = 8 : i64, sc.parallel_access}
      }
      %scan3A_461 = arith.constant 8 : i32
      %dma_start3A_462 = arith.constant 1 : i32
      %dma_start3A_463 = arith.constant 0 : i32
      %dma_start3A_464 = arith.constant 0 : i32
      %dma_start3A_465 = arith.constant 0 : i32
      %dma_start3A_466 = tpu.memref_slice %arg5[%select_n3A_425, %dma_start3A_463, %select_n3A_441, %dma_start3A_464, %dma_start3A_465] : memref<200x8x8x8x128xf32, #tpu.memory_space<hbm>> -> memref<1x8x1x8x128xf32, #tpu.memory_space<hbm>>
      %dma_start3A_467 = tpu.memref_squeeze %dma_start3A_466 : memref<1x8x1x8x128xf32, #tpu.memory_space<hbm>> -> memref<8x8x128xf32, #tpu.memory_space<hbm>>
      %dma_start3A_468 = tpu.memref_slice %arg19[%dma_start3A_462] : memref<5x!tpu.dma_semaphore, #tpu.memory_space<semaphore_mem>> -> memref<1x!tpu.dma_semaphore, #tpu.memory_space<semaphore_mem>>
      %dma_start3A_469 = tpu.memref_squeeze %dma_start3A_468 : memref<1x!tpu.dma_semaphore, #tpu.memory_space<semaphore_mem>> -> memref<!tpu.dma_semaphore, #tpu.memory_space<semaphore_mem>>
      %dma_start3A_470 = arith.constant 0 : i32
      %dma_start3A_471 = arith.constant 0 : i32
      %dma_start3A_472 = arith.constant 0 : i32
      %dma_start3A_473 = tpu.memref_slice %arg5[%select_n3A_425, %dma_start3A_470, %select_n3A_441, %dma_start3A_471, %dma_start3A_472] : memref<200x8x8x8x128xf32, #tpu.memory_space<hbm>> -> memref<1x8x1x8x128xf32, #tpu.memory_space<hbm>>
      %dma_start3A_474 = tpu.memref_squeeze %dma_start3A_473 : memref<1x8x1x8x128xf32, #tpu.memory_space<hbm>> -> memref<8x8x128xf32, #tpu.memory_space<hbm>>
      tpu.enqueue_dma source(%arg14 : memref<8x8x128xf32, #tpu.memory_space<vmem>>) target(%dma_start3A_474 : memref<8x8x128xf32, #tpu.memory_space<hbm>>) target_semaphore(%dma_start3A_469 : memref<!tpu.dma_semaphore, #tpu.memory_space<semaphore_mem>>)
      %add3A_475 = arith.constant 4 : i32
      %add3A_476 = arith.addi %add3A_400, %add3A_475 : i32
      %min3A_477 = arith.constant 49 : i32
      %min3A_478 = arith.minsi %add3A_476, %min3A_477 : i32
      %add3A_479 = arith.constant 4 : i32
      %add3A_480 = arith.addi %add3A_400, %add3A_479 : i32
      %lt3A_481 = arith.constant 50 : i32
      %lt3A_482 = arith.cmpi slt, %add3A_480, %lt3A_481 : i32
      %convert_element_type3A_483 = arith.extui %lt3A_482 : i1 to i32
      %cond3A_484 = arith.constant 0 : i32
      %cond3A_485 = arith.cmpi ne, %convert_element_type3A_483, %cond3A_484 : i32
      scf.if %cond3A_485 {
        %dma_start3A_753 = arith.constant 0 : i32
        %dma_start3A_754 = arith.constant 0 : i32
        %dma_start3A_755 = tpu.memref_slice %arg6[%min3A_478, %dma_start3A_754] : memref<50x128xi32, #tpu.memory_space<vmem>> -> memref<1x128xi32, #tpu.memory_space<vmem>>
        %dma_start3A_756 = tpu.memref_squeeze %dma_start3A_755 : memref<1x128xi32, #tpu.memory_space<vmem>> -> memref<128xi32, #tpu.memory_space<vmem>>
        %dma_start3A_757 = arith.constant 0 : i32
        %dma_start3A_758 = arith.constant 0 : i32
        %dma_start3A_759 = tpu.memref_slice %arg2[%dma_start3A_757, %dma_start3A_758] : memref<100000x64xf32, #tpu.memory_space<hbm>> -> memref<100000x64xf32, #tpu.memory_space<hbm>>
        %dma_start3A_760 = tpu.memref_slice %arg18[%dma_start3A_753] : memref<5x!tpu.dma_semaphore, #tpu.memory_space<semaphore_mem>> -> memref<1x!tpu.dma_semaphore, #tpu.memory_space<semaphore_mem>>
        %dma_start3A_761 = tpu.memref_squeeze %dma_start3A_760 : memref<1x!tpu.dma_semaphore, #tpu.memory_space<semaphore_mem>> -> memref<!tpu.dma_semaphore, #tpu.memory_space<semaphore_mem>>
        tpu.enqueue_indirect_dma source(%dma_start3A_759 : memref<100000x64xf32, #tpu.memory_space<hbm>>) target(%arg8 : memref<128x64xf32, #tpu.memory_space<vmem>>) offsets(%dma_start3A_756 : memref<128xi32, #tpu.memory_space<vmem>>) semaphore(%dma_start3A_761 : memref<!tpu.dma_semaphore, #tpu.memory_space<semaphore_mem>>)
      } else {
      }
      %mul3A_486 = arith.constant 5 : i32
      %mul3A_487 = arith.muli %scan3A_311, %mul3A_486 : i32
      %add3A_488 = arith.constant 2 : i32
      %add3A_489 = arith.addi %mul3A_487, %add3A_488 : i32
      %add3A_490 = arith.addi %mul3A_2, %add3A_489 : i32
      %jit3A_491 = arith.constant 8 : i32
      %div3A_492 = arith.divsi %add3A_490, %jit3A_491 : i32
      %sign3A_493 = arith.constant 0 : i32
      %sign3A_494 = arith.cmpi sgt, %add3A_490, %sign3A_493 : i32
      %sign3A_495 = arith.extui %sign3A_494 : i1 to i32
      %sign3A_496 = arith.constant 0 : i32
      %sign3A_497 = arith.cmpi slt, %add3A_490, %sign3A_496 : i32
      %sign3A_498 = arith.extui %sign3A_497 : i1 to i32
      %sign3A_499 = arith.subi %sign3A_495, %sign3A_498 : i32
      %sign3A_500 = arith.constant 0 : i32
      %sign3A_501 = arith.cmpi sgt, %jit3A_491, %sign3A_500 : i32
      %sign3A_502 = arith.extui %sign3A_501 : i1 to i32
      %sign3A_503 = arith.constant 0 : i32
      %sign3A_504 = arith.cmpi slt, %jit3A_491, %sign3A_503 : i32
      %sign3A_505 = arith.extui %sign3A_504 : i1 to i32
      %sign3A_506 = arith.subi %sign3A_502, %sign3A_505 : i32
      %ne3A_507 = arith.cmpi ne, %sign3A_499, %sign3A_506 : i32
      %rem3A_508 = arith.remsi %add3A_490, %jit3A_491 : i32
      %ne3A_509 = arith.constant 0 : i32
      %ne3A_510 = arith.cmpi ne, %rem3A_508, %ne3A_509 : i32
      %and3A_511 = arith.andi %ne3A_507, %ne3A_510 : i1
      %sub3A_512 = arith.constant 1 : i32
      %sub3A_513 = arith.subi %div3A_492, %sub3A_512 : i32
      %select_n3A_514 = arith.select %and3A_511, %sub3A_513, %div3A_492 : i32
      %jit3A_515 = arith.constant 8 : i32
      %eq3A_516 = arith.constant 0 : i32
      %eq3A_517 = arith.cmpi eq, %jit3A_515, %eq3A_516 : i32
      %jit3A_518 = arith.constant 1 : i32
      %select_n3A_519 = arith.select %eq3A_517, %jit3A_518, %jit3A_515 : i32
      %rem3A_520 = arith.remsi %add3A_490, %select_n3A_519 : i32
      %ne3A_521 = arith.constant 0 : i32
      %ne3A_522 = arith.cmpi ne, %rem3A_520, %ne3A_521 : i32
      %lt3A_523 = arith.constant 0 : i32
      %lt3A_524 = arith.cmpi slt, %rem3A_520, %lt3A_523 : i32
      %lt3A_525 = arith.constant 0 : i32
      %lt3A_526 = arith.cmpi slt, %select_n3A_519, %lt3A_525 : i32
      %ne3A_527 = arith.xori %lt3A_524, %lt3A_526 : i1
      %and3A_528 = arith.andi %ne3A_527, %ne3A_522 : i1
      %add3A_529 = arith.addi %rem3A_520, %select_n3A_519 : i32
      %select_n3A_530 = arith.select %and3A_528, %add3A_529, %rem3A_520 : i32
      %dma_wait3A_531 = arith.constant 2 : i32
      %dma_wait3A_532 = arith.constant 0 : i32
      %dma_wait3A_533 = tpu.memref_slice %arg6[%add3A_489, %dma_wait3A_532] : memref<50x128xi32, #tpu.memory_space<vmem>> -> memref<1x128xi32, #tpu.memory_space<vmem>>
      %dma_wait3A_534 = tpu.memref_squeeze %dma_wait3A_533 : memref<1x128xi32, #tpu.memory_space<vmem>> -> memref<128xi32, #tpu.memory_space<vmem>>
      %dma_wait3A_535 = arith.constant 0 : i32
      %dma_wait3A_536 = arith.constant 0 : i32
      %dma_wait3A_537 = tpu.memref_slice %arg2[%dma_wait3A_535, %dma_wait3A_536] : memref<100000x64xf32, #tpu.memory_space<hbm>> -> memref<100000x64xf32, #tpu.memory_space<hbm>>
      %dma_wait3A_538 = tpu.memref_slice %arg18[%dma_wait3A_531] : memref<5x!tpu.dma_semaphore, #tpu.memory_space<semaphore_mem>> -> memref<1x!tpu.dma_semaphore, #tpu.memory_space<semaphore_mem>>
      %dma_wait3A_539 = tpu.memref_squeeze %dma_wait3A_538 : memref<1x!tpu.dma_semaphore, #tpu.memory_space<semaphore_mem>> -> memref<!tpu.dma_semaphore, #tpu.memory_space<semaphore_mem>>
      tpu.wait_indirect_dma semaphore(%dma_wait3A_539 : memref<!tpu.dma_semaphore, #tpu.memory_space<semaphore_mem>>) src(%dma_wait3A_537 : memref<100000x64xf32, #tpu.memory_space<hbm>>) dst(%arg10 : memref<128x64xf32, #tpu.memory_space<vmem>>)
      %gt3A_540 = arith.constant 0 : i32
      %gt3A_541 = arith.cmpi sgt, %scan3A_311, %gt3A_540 : i32
      %convert_element_type3A_542 = arith.extui %gt3A_541 : i1 to i32
      %cond3A_543 = arith.constant 0 : i32
      %cond3A_544 = arith.cmpi ne, %convert_element_type3A_542, %cond3A_543 : i32
      scf.if %cond3A_544 {
        %dma_wait3A_753 = arith.constant 2 : i32
        %dma_wait3A_754 = arith.constant 0 : i32
        %dma_wait3A_755 = arith.constant 0 : i32
        %dma_wait3A_756 = arith.constant 0 : i32
        %dma_wait3A_757 = tpu.memref_slice %arg5[%select_n3A_514, %dma_wait3A_754, %select_n3A_530, %dma_wait3A_755, %dma_wait3A_756] : memref<200x8x8x8x128xf32, #tpu.memory_space<hbm>> -> memref<1x8x1x8x128xf32, #tpu.memory_space<hbm>>
        %dma_wait3A_758 = tpu.memref_squeeze %dma_wait3A_757 : memref<1x8x1x8x128xf32, #tpu.memory_space<hbm>> -> memref<8x8x128xf32, #tpu.memory_space<hbm>>
        %dma_wait3A_759 = tpu.memref_slice %arg19[%dma_wait3A_753] : memref<5x!tpu.dma_semaphore, #tpu.memory_space<semaphore_mem>> -> memref<1x!tpu.dma_semaphore, #tpu.memory_space<semaphore_mem>>
        %dma_wait3A_760 = tpu.memref_squeeze %dma_wait3A_759 : memref<1x!tpu.dma_semaphore, #tpu.memory_space<semaphore_mem>> -> memref<!tpu.dma_semaphore, #tpu.memory_space<semaphore_mem>>
        %dma_wait3A_761 = arith.constant 0 : i32
        %dma_wait3A_762 = arith.constant 0 : i32
        %dma_wait3A_763 = arith.constant 0 : i32
        %dma_wait3A_764 = tpu.memref_slice %arg5[%select_n3A_514, %dma_wait3A_761, %select_n3A_530, %dma_wait3A_762, %dma_wait3A_763] : memref<200x8x8x8x128xf32, #tpu.memory_space<hbm>> -> memref<1x8x1x8x128xf32, #tpu.memory_space<hbm>>
        %dma_wait3A_765 = tpu.memref_squeeze %dma_wait3A_764 : memref<1x8x1x8x128xf32, #tpu.memory_space<hbm>> -> memref<8x8x128xf32, #tpu.memory_space<hbm>>
        tpu.wait_dma2 semaphore(%dma_wait3A_760 : memref<!tpu.dma_semaphore, #tpu.memory_space<semaphore_mem>>) src(%arg15 : memref<8x8x128xf32, #tpu.memory_space<vmem>>) dst(%dma_wait3A_765 : memref<8x8x128xf32, #tpu.memory_space<hbm>>)
      } else {
      }
      %scan3A_545 = arith.constant 0 : i32
      %scan3A_546 = arith.constant 0 : i32
      %scan3A_547 = arith.constant 8 : i32
      %scan3A_548 = arith.addi %scan3A_546, %scan3A_547 : i32
      %scan3A_549 = arith.constant 1 : i32
      scf.for %scan3A_753 = %scan3A_546 to %scan3A_548 step %scan3A_549  : i32 {
        %iota3A = tpu.iota {dimensions = array<i32: 0>} : vector<16xi32>
        %mul3A_754 = arith.constant 16 : i32
        %mul3A_755 = arith.muli %scan3A_753, %mul3A_754 : i32
        %add3A_756 = vector.broadcast %mul3A_755 : i32 to vector<16xi32>
        %add3A_757 = arith.addi %add3A_756, %iota3A : vector<16xi32>
        %mul3A_758 = arith.constant 16 : i32
        %mul3A_759 = arith.muli %scan3A_753, %mul3A_758 : i32
        %get3A = arith.index_cast %add3A_489 : i32 to index
        %get3A_760 = arith.index_cast %mul3A_759 : i32 to index
        %get3A_761 = tpu.vector_load %arg7[%get3A, %get3A_760] {strides = array<i32>} : memref<50x128xf32, #tpu.memory_space<vmem>>, vector<16xf32>,
        %parallel_loop3A = arith.constant 0 : i32
        %parallel_loop3A_762 = arith.constant 64 : i32
        %parallel_loop3A_763 = arith.constant 1 : i32
        scf.for %parallel_loop3A_764 = %parallel_loop3A to %parallel_loop3A_762 step %parallel_loop3A_763  : i32 {
          %parallel_loop3A_765 = vector.broadcast %parallel_loop3A_764 : i32 to vector<16xi32>
          %parallel_loop3A_766 = arith.addi %parallel_loop3A_765, %iota3A : vector<16xi32>
          %parallel_loop3A_767 = arith.constant 63 : i32
          %parallel_loop3A_768 = vector.broadcast %parallel_loop3A_767 : i32 to vector<16xi32>
          %parallel_loop3A_769 = arith.andi %parallel_loop3A_766, %parallel_loop3A_768 : vector<16xi32>
          %parallel_loop3A_770 = tpu.vector_load_idx %arg10[%add3A_757, %parallel_loop3A_769] : memref<128x64xf32, #tpu.memory_space<vmem>>[vector<16xi32>, vector<16xi32>], vector<16xf32>,
          %parallel_loop3A_771 = arith.constant 3 : i32
          %parallel_loop3A_772 = vector.broadcast %parallel_loop3A_771 : i32 to vector<16xi32>
          %parallel_loop3A_773 = arith.shrsi %parallel_loop3A_769, %parallel_loop3A_772 : vector<16xi32>
          %parallel_loop3A_774 = arith.constant 7 : i32
          %parallel_loop3A_775 = vector.broadcast %parallel_loop3A_774 : i32 to vector<16xi32>
          %parallel_loop3A_776 = arith.andi %parallel_loop3A_769, %parallel_loop3A_775 : vector<16xi32>
          %parallel_loop3A_777 = arith.mulf %parallel_loop3A_770, %get3A_761 : vector<16xf32>
          tpu.vector_store_idx %arg15[%parallel_loop3A_773, %parallel_loop3A_776, %add3A_757], %parallel_loop3A_777 : memref<8x8x128xf32, #tpu.memory_space<vmem>>[vector<16xi32>, vector<16xi32>, vector<16xi32>], vector<16xf32>,
        } {sc.loop_unroll_factor = 8 : i64, sc.parallel_access}
      }
      %scan3A_550 = arith.constant 8 : i32
      %dma_start3A_551 = arith.constant 2 : i32
      %dma_start3A_552 = arith.constant 0 : i32
      %dma_start3A_553 = arith.constant 0 : i32
      %dma_start3A_554 = arith.constant 0 : i32
      %dma_start3A_555 = tpu.memref_slice %arg5[%select_n3A_514, %dma_start3A_552, %select_n3A_530, %dma_start3A_553, %dma_start3A_554] : memref<200x8x8x8x128xf32, #tpu.memory_space<hbm>> -> memref<1x8x1x8x128xf32, #tpu.memory_space<hbm>>
      %dma_start3A_556 = tpu.memref_squeeze %dma_start3A_555 : memref<1x8x1x8x128xf32, #tpu.memory_space<hbm>> -> memref<8x8x128xf32, #tpu.memory_space<hbm>>
      %dma_start3A_557 = tpu.memref_slice %arg19[%dma_start3A_551] : memref<5x!tpu.dma_semaphore, #tpu.memory_space<semaphore_mem>> -> memref<1x!tpu.dma_semaphore, #tpu.memory_space<semaphore_mem>>
      %dma_start3A_558 = tpu.memref_squeeze %dma_start3A_557 : memref<1x!tpu.dma_semaphore, #tpu.memory_space<semaphore_mem>> -> memref<!tpu.dma_semaphore, #tpu.memory_space<semaphore_mem>>
      %dma_start3A_559 = arith.constant 0 : i32
      %dma_start3A_560 = arith.constant 0 : i32
      %dma_start3A_561 = arith.constant 0 : i32
      %dma_start3A_562 = tpu.memref_slice %arg5[%select_n3A_514, %dma_start3A_559, %select_n3A_530, %dma_start3A_560, %dma_start3A_561] : memref<200x8x8x8x128xf32, #tpu.memory_space<hbm>> -> memref<1x8x1x8x128xf32, #tpu.memory_space<hbm>>
      %dma_start3A_563 = tpu.memref_squeeze %dma_start3A_562 : memref<1x8x1x8x128xf32, #tpu.memory_space<hbm>> -> memref<8x8x128xf32, #tpu.memory_space<hbm>>
      tpu.enqueue_dma source(%arg15 : memref<8x8x128xf32, #tpu.memory_space<vmem>>) target(%dma_start3A_563 : memref<8x8x128xf32, #tpu.memory_space<hbm>>) target_semaphore(%dma_start3A_558 : memref<!tpu.dma_semaphore, #tpu.memory_space<semaphore_mem>>)
      %add3A_564 = arith.constant 4 : i32
      %add3A_565 = arith.addi %add3A_489, %add3A_564 : i32
      %min3A_566 = arith.constant 49 : i32
      %min3A_567 = arith.minsi %add3A_565, %min3A_566 : i32
      %add3A_568 = arith.constant 4 : i32
      %add3A_569 = arith.addi %add3A_489, %add3A_568 : i32
      %lt3A_570 = arith.constant 50 : i32
      %lt3A_571 = arith.cmpi slt, %add3A_569, %lt3A_570 : i32
      %convert_element_type3A_572 = arith.extui %lt3A_571 : i1 to i32
      %cond3A_573 = arith.constant 0 : i32
      %cond3A_574 = arith.cmpi ne, %convert_element_type3A_572, %cond3A_573 : i32
      scf.if %cond3A_574 {
        %dma_start3A_753 = arith.constant 1 : i32
        %dma_start3A_754 = arith.constant 0 : i32
        %dma_start3A_755 = tpu.memref_slice %arg6[%min3A_567, %dma_start3A_754] : memref<50x128xi32, #tpu.memory_space<vmem>> -> memref<1x128xi32, #tpu.memory_space<vmem>>
        %dma_start3A_756 = tpu.memref_squeeze %dma_start3A_755 : memref<1x128xi32, #tpu.memory_space<vmem>> -> memref<128xi32, #tpu.memory_space<vmem>>
        %dma_start3A_757 = arith.constant 0 : i32
        %dma_start3A_758 = arith.constant 0 : i32
        %dma_start3A_759 = tpu.memref_slice %arg2[%dma_start3A_757, %dma_start3A_758] : memref<100000x64xf32, #tpu.memory_space<hbm>> -> memref<100000x64xf32, #tpu.memory_space<hbm>>
        %dma_start3A_760 = tpu.memref_slice %arg18[%dma_start3A_753] : memref<5x!tpu.dma_semaphore, #tpu.memory_space<semaphore_mem>> -> memref<1x!tpu.dma_semaphore, #tpu.memory_space<semaphore_mem>>
        %dma_start3A_761 = tpu.memref_squeeze %dma_start3A_760 : memref<1x!tpu.dma_semaphore, #tpu.memory_space<semaphore_mem>> -> memref<!tpu.dma_semaphore, #tpu.memory_space<semaphore_mem>>
        tpu.enqueue_indirect_dma source(%dma_start3A_759 : memref<100000x64xf32, #tpu.memory_space<hbm>>) target(%arg9 : memref<128x64xf32, #tpu.memory_space<vmem>>) offsets(%dma_start3A_756 : memref<128xi32, #tpu.memory_space<vmem>>) semaphore(%dma_start3A_761 : memref<!tpu.dma_semaphore, #tpu.memory_space<semaphore_mem>>)
      } else {
      }
      %mul3A_575 = arith.constant 5 : i32
      %mul3A_576 = arith.muli %scan3A_311, %mul3A_575 : i32
      %add3A_577 = arith.constant 3 : i32
      %add3A_578 = arith.addi %mul3A_576, %add3A_577 : i32
      %add3A_579 = arith.addi %mul3A_2, %add3A_578 : i32
      %jit3A_580 = arith.constant 8 : i32
      %div3A_581 = arith.divsi %add3A_579, %jit3A_580 : i32
      %sign3A_582 = arith.constant 0 : i32
      %sign3A_583 = arith.cmpi sgt, %add3A_579, %sign3A_582 : i32
      %sign3A_584 = arith.extui %sign3A_583 : i1 to i32
      %sign3A_585 = arith.constant 0 : i32
      %sign3A_586 = arith.cmpi slt, %add3A_579, %sign3A_585 : i32
      %sign3A_587 = arith.extui %sign3A_586 : i1 to i32
      %sign3A_588 = arith.subi %sign3A_584, %sign3A_587 : i32
      %sign3A_589 = arith.constant 0 : i32
      %sign3A_590 = arith.cmpi sgt, %jit3A_580, %sign3A_589 : i32
      %sign3A_591 = arith.extui %sign3A_590 : i1 to i32
      %sign3A_592 = arith.constant 0 : i32
      %sign3A_593 = arith.cmpi slt, %jit3A_580, %sign3A_592 : i32
      %sign3A_594 = arith.extui %sign3A_593 : i1 to i32
      %sign3A_595 = arith.subi %sign3A_591, %sign3A_594 : i32
      %ne3A_596 = arith.cmpi ne, %sign3A_588, %sign3A_595 : i32
      %rem3A_597 = arith.remsi %add3A_579, %jit3A_580 : i32
      %ne3A_598 = arith.constant 0 : i32
      %ne3A_599 = arith.cmpi ne, %rem3A_597, %ne3A_598 : i32
      %and3A_600 = arith.andi %ne3A_596, %ne3A_599 : i1
      %sub3A_601 = arith.constant 1 : i32
      %sub3A_602 = arith.subi %div3A_581, %sub3A_601 : i32
      %select_n3A_603 = arith.select %and3A_600, %sub3A_602, %div3A_581 : i32
      %jit3A_604 = arith.constant 8 : i32
      %eq3A_605 = arith.constant 0 : i32
      %eq3A_606 = arith.cmpi eq, %jit3A_604, %eq3A_605 : i32
      %jit3A_607 = arith.constant 1 : i32
      %select_n3A_608 = arith.select %eq3A_606, %jit3A_607, %jit3A_604 : i32
      %rem3A_609 = arith.remsi %add3A_579, %select_n3A_608 : i32
      %ne3A_610 = arith.constant 0 : i32
      %ne3A_611 = arith.cmpi ne, %rem3A_609, %ne3A_610 : i32
      %lt3A_612 = arith.constant 0 : i32
      %lt3A_613 = arith.cmpi slt, %rem3A_609, %lt3A_612 : i32
      %lt3A_614 = arith.constant 0 : i32
      %lt3A_615 = arith.cmpi slt, %select_n3A_608, %lt3A_614 : i32
      %ne3A_616 = arith.xori %lt3A_613, %lt3A_615 : i1
      %and3A_617 = arith.andi %ne3A_616, %ne3A_611 : i1
      %add3A_618 = arith.addi %rem3A_609, %select_n3A_608 : i32
      %select_n3A_619 = arith.select %and3A_617, %add3A_618, %rem3A_609 : i32
      %dma_wait3A_620 = arith.constant 3 : i32
      %dma_wait3A_621 = arith.constant 0 : i32
      %dma_wait3A_622 = tpu.memref_slice %arg6[%add3A_578, %dma_wait3A_621] : memref<50x128xi32, #tpu.memory_space<vmem>> -> memref<1x128xi32, #tpu.memory_space<vmem>>
      %dma_wait3A_623 = tpu.memref_squeeze %dma_wait3A_622 : memref<1x128xi32, #tpu.memory_space<vmem>> -> memref<128xi32, #tpu.memory_space<vmem>>
      %dma_wait3A_624 = arith.constant 0 : i32
      %dma_wait3A_625 = arith.constant 0 : i32
      %dma_wait3A_626 = tpu.memref_slice %arg2[%dma_wait3A_624, %dma_wait3A_625] : memref<100000x64xf32, #tpu.memory_space<hbm>> -> memref<100000x64xf32, #tpu.memory_space<hbm>>
      %dma_wait3A_627 = tpu.memref_slice %arg18[%dma_wait3A_620] : memref<5x!tpu.dma_semaphore, #tpu.memory_space<semaphore_mem>> -> memref<1x!tpu.dma_semaphore, #tpu.memory_space<semaphore_mem>>
      %dma_wait3A_628 = tpu.memref_squeeze %dma_wait3A_627 : memref<1x!tpu.dma_semaphore, #tpu.memory_space<semaphore_mem>> -> memref<!tpu.dma_semaphore, #tpu.memory_space<semaphore_mem>>
      tpu.wait_indirect_dma semaphore(%dma_wait3A_628 : memref<!tpu.dma_semaphore, #tpu.memory_space<semaphore_mem>>) src(%dma_wait3A_626 : memref<100000x64xf32, #tpu.memory_space<hbm>>) dst(%arg11 : memref<128x64xf32, #tpu.memory_space<vmem>>)
      %gt3A_629 = arith.constant 0 : i32
      %gt3A_630 = arith.cmpi sgt, %scan3A_311, %gt3A_629 : i32
      %convert_element_type3A_631 = arith.extui %gt3A_630 : i1 to i32
      %cond3A_632 = arith.constant 0 : i32
      %cond3A_633 = arith.cmpi ne, %convert_element_type3A_631, %cond3A_632 : i32
      scf.if %cond3A_633 {
        %dma_wait3A_753 = arith.constant 3 : i32
        %dma_wait3A_754 = arith.constant 0 : i32
        %dma_wait3A_755 = arith.constant 0 : i32
        %dma_wait3A_756 = arith.constant 0 : i32
        %dma_wait3A_757 = tpu.memref_slice %arg5[%select_n3A_603, %dma_wait3A_754, %select_n3A_619, %dma_wait3A_755, %dma_wait3A_756] : memref<200x8x8x8x128xf32, #tpu.memory_space<hbm>> -> memref<1x8x1x8x128xf32, #tpu.memory_space<hbm>>
        %dma_wait3A_758 = tpu.memref_squeeze %dma_wait3A_757 : memref<1x8x1x8x128xf32, #tpu.memory_space<hbm>> -> memref<8x8x128xf32, #tpu.memory_space<hbm>>
        %dma_wait3A_759 = tpu.memref_slice %arg19[%dma_wait3A_753] : memref<5x!tpu.dma_semaphore, #tpu.memory_space<semaphore_mem>> -> memref<1x!tpu.dma_semaphore, #tpu.memory_space<semaphore_mem>>
        %dma_wait3A_760 = tpu.memref_squeeze %dma_wait3A_759 : memref<1x!tpu.dma_semaphore, #tpu.memory_space<semaphore_mem>> -> memref<!tpu.dma_semaphore, #tpu.memory_space<semaphore_mem>>
        %dma_wait3A_761 = arith.constant 0 : i32
        %dma_wait3A_762 = arith.constant 0 : i32
        %dma_wait3A_763 = arith.constant 0 : i32
        %dma_wait3A_764 = tpu.memref_slice %arg5[%select_n3A_603, %dma_wait3A_761, %select_n3A_619, %dma_wait3A_762, %dma_wait3A_763] : memref<200x8x8x8x128xf32, #tpu.memory_space<hbm>> -> memref<1x8x1x8x128xf32, #tpu.memory_space<hbm>>
        %dma_wait3A_765 = tpu.memref_squeeze %dma_wait3A_764 : memref<1x8x1x8x128xf32, #tpu.memory_space<hbm>> -> memref<8x8x128xf32, #tpu.memory_space<hbm>>
        tpu.wait_dma2 semaphore(%dma_wait3A_760 : memref<!tpu.dma_semaphore, #tpu.memory_space<semaphore_mem>>) src(%arg16 : memref<8x8x128xf32, #tpu.memory_space<vmem>>) dst(%dma_wait3A_765 : memref<8x8x128xf32, #tpu.memory_space<hbm>>)
      } else {
      }
      %scan3A_634 = arith.constant 0 : i32
      %scan3A_635 = arith.constant 0 : i32
      %scan3A_636 = arith.constant 8 : i32
      %scan3A_637 = arith.addi %scan3A_635, %scan3A_636 : i32
      %scan3A_638 = arith.constant 1 : i32
      scf.for %scan3A_753 = %scan3A_635 to %scan3A_637 step %scan3A_638  : i32 {
        %iota3A = tpu.iota {dimensions = array<i32: 0>} : vector<16xi32>
        %mul3A_754 = arith.constant 16 : i32
        %mul3A_755 = arith.muli %scan3A_753, %mul3A_754 : i32
        %add3A_756 = vector.broadcast %mul3A_755 : i32 to vector<16xi32>
        %add3A_757 = arith.addi %add3A_756, %iota3A : vector<16xi32>
        %mul3A_758 = arith.constant 16 : i32
        %mul3A_759 = arith.muli %scan3A_753, %mul3A_758 : i32
        %get3A = arith.index_cast %add3A_578 : i32 to index
        %get3A_760 = arith.index_cast %mul3A_759 : i32 to index
        %get3A_761 = tpu.vector_load %arg7[%get3A, %get3A_760] {strides = array<i32>} : memref<50x128xf32, #tpu.memory_space<vmem>>, vector<16xf32>,
        %parallel_loop3A = arith.constant 0 : i32
        %parallel_loop3A_762 = arith.constant 64 : i32
        %parallel_loop3A_763 = arith.constant 1 : i32
        scf.for %parallel_loop3A_764 = %parallel_loop3A to %parallel_loop3A_762 step %parallel_loop3A_763  : i32 {
          %parallel_loop3A_765 = vector.broadcast %parallel_loop3A_764 : i32 to vector<16xi32>
          %parallel_loop3A_766 = arith.addi %parallel_loop3A_765, %iota3A : vector<16xi32>
          %parallel_loop3A_767 = arith.constant 63 : i32
          %parallel_loop3A_768 = vector.broadcast %parallel_loop3A_767 : i32 to vector<16xi32>
          %parallel_loop3A_769 = arith.andi %parallel_loop3A_766, %parallel_loop3A_768 : vector<16xi32>
          %parallel_loop3A_770 = tpu.vector_load_idx %arg11[%add3A_757, %parallel_loop3A_769] : memref<128x64xf32, #tpu.memory_space<vmem>>[vector<16xi32>, vector<16xi32>], vector<16xf32>,
          %parallel_loop3A_771 = arith.constant 3 : i32
          %parallel_loop3A_772 = vector.broadcast %parallel_loop3A_771 : i32 to vector<16xi32>
          %parallel_loop3A_773 = arith.shrsi %parallel_loop3A_769, %parallel_loop3A_772 : vector<16xi32>
          %parallel_loop3A_774 = arith.constant 7 : i32
          %parallel_loop3A_775 = vector.broadcast %parallel_loop3A_774 : i32 to vector<16xi32>
          %parallel_loop3A_776 = arith.andi %parallel_loop3A_769, %parallel_loop3A_775 : vector<16xi32>
          %parallel_loop3A_777 = arith.mulf %parallel_loop3A_770, %get3A_761 : vector<16xf32>
          tpu.vector_store_idx %arg16[%parallel_loop3A_773, %parallel_loop3A_776, %add3A_757], %parallel_loop3A_777 : memref<8x8x128xf32, #tpu.memory_space<vmem>>[vector<16xi32>, vector<16xi32>, vector<16xi32>], vector<16xf32>,
        } {sc.loop_unroll_factor = 8 : i64, sc.parallel_access}
      }
      %scan3A_639 = arith.constant 8 : i32
      %dma_start3A_640 = arith.constant 3 : i32
      %dma_start3A_641 = arith.constant 0 : i32
      %dma_start3A_642 = arith.constant 0 : i32
      %dma_start3A_643 = arith.constant 0 : i32
      %dma_start3A_644 = tpu.memref_slice %arg5[%select_n3A_603, %dma_start3A_641, %select_n3A_619, %dma_start3A_642, %dma_start3A_643] : memref<200x8x8x8x128xf32, #tpu.memory_space<hbm>> -> memref<1x8x1x8x128xf32, #tpu.memory_space<hbm>>
      %dma_start3A_645 = tpu.memref_squeeze %dma_start3A_644 : memref<1x8x1x8x128xf32, #tpu.memory_space<hbm>> -> memref<8x8x128xf32, #tpu.memory_space<hbm>>
      %dma_start3A_646 = tpu.memref_slice %arg19[%dma_start3A_640] : memref<5x!tpu.dma_semaphore, #tpu.memory_space<semaphore_mem>> -> memref<1x!tpu.dma_semaphore, #tpu.memory_space<semaphore_mem>>
      %dma_start3A_647 = tpu.memref_squeeze %dma_start3A_646 : memref<1x!tpu.dma_semaphore, #tpu.memory_space<semaphore_mem>> -> memref<!tpu.dma_semaphore, #tpu.memory_space<semaphore_mem>>
      %dma_start3A_648 = arith.constant 0 : i32
      %dma_start3A_649 = arith.constant 0 : i32
      %dma_start3A_650 = arith.constant 0 : i32
      %dma_start3A_651 = tpu.memref_slice %arg5[%select_n3A_603, %dma_start3A_648, %select_n3A_619, %dma_start3A_649, %dma_start3A_650] : memref<200x8x8x8x128xf32, #tpu.memory_space<hbm>> -> memref<1x8x1x8x128xf32, #tpu.memory_space<hbm>>
      %dma_start3A_652 = tpu.memref_squeeze %dma_start3A_651 : memref<1x8x1x8x128xf32, #tpu.memory_space<hbm>> -> memref<8x8x128xf32, #tpu.memory_space<hbm>>
      tpu.enqueue_dma source(%arg16 : memref<8x8x128xf32, #tpu.memory_space<vmem>>) target(%dma_start3A_652 : memref<8x8x128xf32, #tpu.memory_space<hbm>>) target_semaphore(%dma_start3A_647 : memref<!tpu.dma_semaphore, #tpu.memory_space<semaphore_mem>>)
      %add3A_653 = arith.constant 4 : i32
      %add3A_654 = arith.addi %add3A_578, %add3A_653 : i32
      %min3A_655 = arith.constant 49 : i32
      %min3A_656 = arith.minsi %add3A_654, %min3A_655 : i32
      %add3A_657 = arith.constant 4 : i32
      %add3A_658 = arith.addi %add3A_578, %add3A_657 : i32
      %lt3A_659 = arith.constant 50 : i32
      %lt3A_660 = arith.cmpi slt, %add3A_658, %lt3A_659 : i32
      %convert_element_type3A_661 = arith.extui %lt3A_660 : i1 to i32
      %cond3A_662 = arith.constant 0 : i32
      %cond3A_663 = arith.cmpi ne, %convert_element_type3A_661, %cond3A_662 : i32
      scf.if %cond3A_663 {
        %dma_start3A_753 = arith.constant 2 : i32
        %dma_start3A_754 = arith.constant 0 : i32
        %dma_start3A_755 = tpu.memref_slice %arg6[%min3A_656, %dma_start3A_754] : memref<50x128xi32, #tpu.memory_space<vmem>> -> memref<1x128xi32, #tpu.memory_space<vmem>>
        %dma_start3A_756 = tpu.memref_squeeze %dma_start3A_755 : memref<1x128xi32, #tpu.memory_space<vmem>> -> memref<128xi32, #tpu.memory_space<vmem>>
        %dma_start3A_757 = arith.constant 0 : i32
        %dma_start3A_758 = arith.constant 0 : i32
        %dma_start3A_759 = tpu.memref_slice %arg2[%dma_start3A_757, %dma_start3A_758] : memref<100000x64xf32, #tpu.memory_space<hbm>> -> memref<100000x64xf32, #tpu.memory_space<hbm>>
        %dma_start3A_760 = tpu.memref_slice %arg18[%dma_start3A_753] : memref<5x!tpu.dma_semaphore, #tpu.memory_space<semaphore_mem>> -> memref<1x!tpu.dma_semaphore, #tpu.memory_space<semaphore_mem>>
        %dma_start3A_761 = tpu.memref_squeeze %dma_start3A_760 : memref<1x!tpu.dma_semaphore, #tpu.memory_space<semaphore_mem>> -> memref<!tpu.dma_semaphore, #tpu.memory_space<semaphore_mem>>
        tpu.enqueue_indirect_dma source(%dma_start3A_759 : memref<100000x64xf32, #tpu.memory_space<hbm>>) target(%arg10 : memref<128x64xf32, #tpu.memory_space<vmem>>) offsets(%dma_start3A_756 : memref<128xi32, #tpu.memory_space<vmem>>) semaphore(%dma_start3A_761 : memref<!tpu.dma_semaphore, #tpu.memory_space<semaphore_mem>>)
      } else {
      }
      %mul3A_664 = arith.constant 5 : i32
      %mul3A_665 = arith.muli %scan3A_311, %mul3A_664 : i32
      %add3A_666 = arith.constant 4 : i32
      %add3A_667 = arith.addi %mul3A_665, %add3A_666 : i32
      %add3A_668 = arith.addi %mul3A_2, %add3A_667 : i32
      %jit3A_669 = arith.constant 8 : i32
      %div3A_670 = arith.divsi %add3A_668, %jit3A_669 : i32
      %sign3A_671 = arith.constant 0 : i32
      %sign3A_672 = arith.cmpi sgt, %add3A_668, %sign3A_671 : i32
      %sign3A_673 = arith.extui %sign3A_672 : i1 to i32
      %sign3A_674 = arith.constant 0 : i32
      %sign3A_675 = arith.cmpi slt, %add3A_668, %sign3A_674 : i32
      %sign3A_676 = arith.extui %sign3A_675 : i1 to i32
      %sign3A_677 = arith.subi %sign3A_673, %sign3A_676 : i32
      %sign3A_678 = arith.constant 0 : i32
      %sign3A_679 = arith.cmpi sgt, %jit3A_669, %sign3A_678 : i32
      %sign3A_680 = arith.extui %sign3A_679 : i1 to i32
      %sign3A_681 = arith.constant 0 : i32
      %sign3A_682 = arith.cmpi slt, %jit3A_669, %sign3A_681 : i32
      %sign3A_683 = arith.extui %sign3A_682 : i1 to i32
      %sign3A_684 = arith.subi %sign3A_680, %sign3A_683 : i32
      %ne3A_685 = arith.cmpi ne, %sign3A_677, %sign3A_684 : i32
      %rem3A_686 = arith.remsi %add3A_668, %jit3A_669 : i32
      %ne3A_687 = arith.constant 0 : i32
      %ne3A_688 = arith.cmpi ne, %rem3A_686, %ne3A_687 : i32
      %and3A_689 = arith.andi %ne3A_685, %ne3A_688 : i1
      %sub3A_690 = arith.constant 1 : i32
      %sub3A_691 = arith.subi %div3A_670, %sub3A_690 : i32
      %select_n3A_692 = arith.select %and3A_689, %sub3A_691, %div3A_670 : i32
      %jit3A_693 = arith.constant 8 : i32
      %eq3A_694 = arith.constant 0 : i32
      %eq3A_695 = arith.cmpi eq, %jit3A_693, %eq3A_694 : i32
      %jit3A_696 = arith.constant 1 : i32
      %select_n3A_697 = arith.select %eq3A_695, %jit3A_696, %jit3A_693 : i32
      %rem3A_698 = arith.remsi %add3A_668, %select_n3A_697 : i32
      %ne3A_699 = arith.constant 0 : i32
      %ne3A_700 = arith.cmpi ne, %rem3A_698, %ne3A_699 : i32
      %lt3A_701 = arith.constant 0 : i32
      %lt3A_702 = arith.cmpi slt, %rem3A_698, %lt3A_701 : i32
      %lt3A_703 = arith.constant 0 : i32
      %lt3A_704 = arith.cmpi slt, %select_n3A_697, %lt3A_703 : i32
      %ne3A_705 = arith.xori %lt3A_702, %lt3A_704 : i1
      %and3A_706 = arith.andi %ne3A_705, %ne3A_700 : i1
      %add3A_707 = arith.addi %rem3A_698, %select_n3A_697 : i32
      %select_n3A_708 = arith.select %and3A_706, %add3A_707, %rem3A_698 : i32
      %dma_wait3A_709 = arith.constant 4 : i32
      %dma_wait3A_710 = arith.constant 0 : i32
      %dma_wait3A_711 = tpu.memref_slice %arg6[%add3A_667, %dma_wait3A_710] : memref<50x128xi32, #tpu.memory_space<vmem>> -> memref<1x128xi32, #tpu.memory_space<vmem>>
      %dma_wait3A_712 = tpu.memref_squeeze %dma_wait3A_711 : memref<1x128xi32, #tpu.memory_space<vmem>> -> memref<128xi32, #tpu.memory_space<vmem>>
      %dma_wait3A_713 = arith.constant 0 : i32
      %dma_wait3A_714 = arith.constant 0 : i32
      %dma_wait3A_715 = tpu.memref_slice %arg2[%dma_wait3A_713, %dma_wait3A_714] : memref<100000x64xf32, #tpu.memory_space<hbm>> -> memref<100000x64xf32, #tpu.memory_space<hbm>>
      %dma_wait3A_716 = tpu.memref_slice %arg18[%dma_wait3A_709] : memref<5x!tpu.dma_semaphore, #tpu.memory_space<semaphore_mem>> -> memref<1x!tpu.dma_semaphore, #tpu.memory_space<semaphore_mem>>
      %dma_wait3A_717 = tpu.memref_squeeze %dma_wait3A_716 : memref<1x!tpu.dma_semaphore, #tpu.memory_space<semaphore_mem>> -> memref<!tpu.dma_semaphore, #tpu.memory_space<semaphore_mem>>
      tpu.wait_indirect_dma semaphore(%dma_wait3A_717 : memref<!tpu.dma_semaphore, #tpu.memory_space<semaphore_mem>>) src(%dma_wait3A_715 : memref<100000x64xf32, #tpu.memory_space<hbm>>) dst(%arg12 : memref<128x64xf32, #tpu.memory_space<vmem>>)
      %gt3A_718 = arith.constant 0 : i32
      %gt3A_719 = arith.cmpi sgt, %scan3A_311, %gt3A_718 : i32
      %convert_element_type3A_720 = arith.extui %gt3A_719 : i1 to i32
      %cond3A_721 = arith.constant 0 : i32
      %cond3A_722 = arith.cmpi ne, %convert_element_type3A_720, %cond3A_721 : i32
      scf.if %cond3A_722 {
        %dma_wait3A_753 = arith.constant 4 : i32
        %dma_wait3A_754 = arith.constant 0 : i32
        %dma_wait3A_755 = arith.constant 0 : i32
        %dma_wait3A_756 = arith.constant 0 : i32
        %dma_wait3A_757 = tpu.memref_slice %arg5[%select_n3A_692, %dma_wait3A_754, %select_n3A_708, %dma_wait3A_755, %dma_wait3A_756] : memref<200x8x8x8x128xf32, #tpu.memory_space<hbm>> -> memref<1x8x1x8x128xf32, #tpu.memory_space<hbm>>
        %dma_wait3A_758 = tpu.memref_squeeze %dma_wait3A_757 : memref<1x8x1x8x128xf32, #tpu.memory_space<hbm>> -> memref<8x8x128xf32, #tpu.memory_space<hbm>>
        %dma_wait3A_759 = tpu.memref_slice %arg19[%dma_wait3A_753] : memref<5x!tpu.dma_semaphore, #tpu.memory_space<semaphore_mem>> -> memref<1x!tpu.dma_semaphore, #tpu.memory_space<semaphore_mem>>
        %dma_wait3A_760 = tpu.memref_squeeze %dma_wait3A_759 : memref<1x!tpu.dma_semaphore, #tpu.memory_space<semaphore_mem>> -> memref<!tpu.dma_semaphore, #tpu.memory_space<semaphore_mem>>
        %dma_wait3A_761 = arith.constant 0 : i32
        %dma_wait3A_762 = arith.constant 0 : i32
        %dma_wait3A_763 = arith.constant 0 : i32
        %dma_wait3A_764 = tpu.memref_slice %arg5[%select_n3A_692, %dma_wait3A_761, %select_n3A_708, %dma_wait3A_762, %dma_wait3A_763] : memref<200x8x8x8x128xf32, #tpu.memory_space<hbm>> -> memref<1x8x1x8x128xf32, #tpu.memory_space<hbm>>
        %dma_wait3A_765 = tpu.memref_squeeze %dma_wait3A_764 : memref<1x8x1x8x128xf32, #tpu.memory_space<hbm>> -> memref<8x8x128xf32, #tpu.memory_space<hbm>>
        tpu.wait_dma2 semaphore(%dma_wait3A_760 : memref<!tpu.dma_semaphore, #tpu.memory_space<semaphore_mem>>) src(%arg17 : memref<8x8x128xf32, #tpu.memory_space<vmem>>) dst(%dma_wait3A_765 : memref<8x8x128xf32, #tpu.memory_space<hbm>>)
      } else {
      }
      %scan3A_723 = arith.constant 0 : i32
      %scan3A_724 = arith.constant 0 : i32
      %scan3A_725 = arith.constant 8 : i32
      %scan3A_726 = arith.addi %scan3A_724, %scan3A_725 : i32
      %scan3A_727 = arith.constant 1 : i32
      scf.for %scan3A_753 = %scan3A_724 to %scan3A_726 step %scan3A_727  : i32 {
        %iota3A = tpu.iota {dimensions = array<i32: 0>} : vector<16xi32>
        %mul3A_754 = arith.constant 16 : i32
        %mul3A_755 = arith.muli %scan3A_753, %mul3A_754 : i32
        %add3A_756 = vector.broadcast %mul3A_755 : i32 to vector<16xi32>
        %add3A_757 = arith.addi %add3A_756, %iota3A : vector<16xi32>
        %mul3A_758 = arith.constant 16 : i32
        %mul3A_759 = arith.muli %scan3A_753, %mul3A_758 : i32
        %get3A = arith.index_cast %add3A_667 : i32 to index
        %get3A_760 = arith.index_cast %mul3A_759 : i32 to index
        %get3A_761 = tpu.vector_load %arg7[%get3A, %get3A_760] {strides = array<i32>} : memref<50x128xf32, #tpu.memory_space<vmem>>, vector<16xf32>,
        %parallel_loop3A = arith.constant 0 : i32
        %parallel_loop3A_762 = arith.constant 64 : i32
        %parallel_loop3A_763 = arith.constant 1 : i32
        scf.for %parallel_loop3A_764 = %parallel_loop3A to %parallel_loop3A_762 step %parallel_loop3A_763  : i32 {
          %parallel_loop3A_765 = vector.broadcast %parallel_loop3A_764 : i32 to vector<16xi32>
          %parallel_loop3A_766 = arith.addi %parallel_loop3A_765, %iota3A : vector<16xi32>
          %parallel_loop3A_767 = arith.constant 63 : i32
          %parallel_loop3A_768 = vector.broadcast %parallel_loop3A_767 : i32 to vector<16xi32>
          %parallel_loop3A_769 = arith.andi %parallel_loop3A_766, %parallel_loop3A_768 : vector<16xi32>
          %parallel_loop3A_770 = tpu.vector_load_idx %arg12[%add3A_757, %parallel_loop3A_769] : memref<128x64xf32, #tpu.memory_space<vmem>>[vector<16xi32>, vector<16xi32>], vector<16xf32>,
          %parallel_loop3A_771 = arith.constant 3 : i32
          %parallel_loop3A_772 = vector.broadcast %parallel_loop3A_771 : i32 to vector<16xi32>
          %parallel_loop3A_773 = arith.shrsi %parallel_loop3A_769, %parallel_loop3A_772 : vector<16xi32>
          %parallel_loop3A_774 = arith.constant 7 : i32
          %parallel_loop3A_775 = vector.broadcast %parallel_loop3A_774 : i32 to vector<16xi32>
          %parallel_loop3A_776 = arith.andi %parallel_loop3A_769, %parallel_loop3A_775 : vector<16xi32>
          %parallel_loop3A_777 = arith.mulf %parallel_loop3A_770, %get3A_761 : vector<16xf32>
          tpu.vector_store_idx %arg17[%parallel_loop3A_773, %parallel_loop3A_776, %add3A_757], %parallel_loop3A_777 : memref<8x8x128xf32, #tpu.memory_space<vmem>>[vector<16xi32>, vector<16xi32>, vector<16xi32>], vector<16xf32>,
        } {sc.loop_unroll_factor = 8 : i64, sc.parallel_access}
      }
      %scan3A_728 = arith.constant 8 : i32
      %dma_start3A_729 = arith.constant 4 : i32
      %dma_start3A_730 = arith.constant 0 : i32
      %dma_start3A_731 = arith.constant 0 : i32
      %dma_start3A_732 = arith.constant 0 : i32
      %dma_start3A_733 = tpu.memref_slice %arg5[%select_n3A_692, %dma_start3A_730, %select_n3A_708, %dma_start3A_731, %dma_start3A_732] : memref<200x8x8x8x128xf32, #tpu.memory_space<hbm>> -> memref<1x8x1x8x128xf32, #tpu.memory_space<hbm>>
      %dma_start3A_734 = tpu.memref_squeeze %dma_start3A_733 : memref<1x8x1x8x128xf32, #tpu.memory_space<hbm>> -> memref<8x8x128xf32, #tpu.memory_space<hbm>>
      %dma_start3A_735 = tpu.memref_slice %arg19[%dma_start3A_729] : memref<5x!tpu.dma_semaphore, #tpu.memory_space<semaphore_mem>> -> memref<1x!tpu.dma_semaphore, #tpu.memory_space<semaphore_mem>>
      %dma_start3A_736 = tpu.memref_squeeze %dma_start3A_735 : memref<1x!tpu.dma_semaphore, #tpu.memory_space<semaphore_mem>> -> memref<!tpu.dma_semaphore, #tpu.memory_space<semaphore_mem>>
      %dma_start3A_737 = arith.constant 0 : i32
      %dma_start3A_738 = arith.constant 0 : i32
      %dma_start3A_739 = arith.constant 0 : i32
      %dma_start3A_740 = tpu.memref_slice %arg5[%select_n3A_692, %dma_start3A_737, %select_n3A_708, %dma_start3A_738, %dma_start3A_739] : memref<200x8x8x8x128xf32, #tpu.memory_space<hbm>> -> memref<1x8x1x8x128xf32, #tpu.memory_space<hbm>>
      %dma_start3A_741 = tpu.memref_squeeze %dma_start3A_740 : memref<1x8x1x8x128xf32, #tpu.memory_space<hbm>> -> memref<8x8x128xf32, #tpu.memory_space<hbm>>
      tpu.enqueue_dma source(%arg17 : memref<8x8x128xf32, #tpu.memory_space<vmem>>) target(%dma_start3A_741 : memref<8x8x128xf32, #tpu.memory_space<hbm>>) target_semaphore(%dma_start3A_736 : memref<!tpu.dma_semaphore, #tpu.memory_space<semaphore_mem>>)
      %add3A_742 = arith.constant 4 : i32
      %add3A_743 = arith.addi %add3A_667, %add3A_742 : i32
      %min3A_744 = arith.constant 49 : i32
      %min3A_745 = arith.minsi %add3A_743, %min3A_744 : i32
      %add3A_746 = arith.constant 4 : i32
      %add3A_747 = arith.addi %add3A_667, %add3A_746 : i32
      %lt3A_748 = arith.constant 50 : i32
      %lt3A_749 = arith.cmpi slt, %add3A_747, %lt3A_748 : i32
      %convert_element_type3A_750 = arith.extui %lt3A_749 : i1 to i32
      %cond3A_751 = arith.constant 0 : i32
      %cond3A_752 = arith.cmpi ne, %convert_element_type3A_750, %cond3A_751 : i32
      scf.if %cond3A_752 {
        %dma_start3A_753 = arith.constant 3 : i32
        %dma_start3A_754 = arith.constant 0 : i32
        %dma_start3A_755 = tpu.memref_slice %arg6[%min3A_745, %dma_start3A_754] : memref<50x128xi32, #tpu.memory_space<vmem>> -> memref<1x128xi32, #tpu.memory_space<vmem>>
        %dma_start3A_756 = tpu.memref_squeeze %dma_start3A_755 : memref<1x128xi32, #tpu.memory_space<vmem>> -> memref<128xi32, #tpu.memory_space<vmem>>
        %dma_start3A_757 = arith.constant 0 : i32
        %dma_start3A_758 = arith.constant 0 : i32
        %dma_start3A_759 = tpu.memref_slice %arg2[%dma_start3A_757, %dma_start3A_758] : memref<100000x64xf32, #tpu.memory_space<hbm>> -> memref<100000x64xf32, #tpu.memory_space<hbm>>
        %dma_start3A_760 = tpu.memref_slice %arg18[%dma_start3A_753] : memref<5x!tpu.dma_semaphore, #tpu.memory_space<semaphore_mem>> -> memref<1x!tpu.dma_semaphore, #tpu.memory_space<semaphore_mem>>
        %dma_start3A_761 = tpu.memref_squeeze %dma_start3A_760 : memref<1x!tpu.dma_semaphore, #tpu.memory_space<semaphore_mem>> -> memref<!tpu.dma_semaphore, #tpu.memory_space<semaphore_mem>>
        tpu.enqueue_indirect_dma source(%dma_start3A_759 : memref<100000x64xf32, #tpu.memory_space<hbm>>) target(%arg11 : memref<128x64xf32, #tpu.memory_space<vmem>>) offsets(%dma_start3A_756 : memref<128xi32, #tpu.memory_space<vmem>>) semaphore(%dma_start3A_761 : memref<!tpu.dma_semaphore, #tpu.memory_space<semaphore_mem>>)
      } else {
      }
    }
    %scan3A_46 = arith.constant 10 : i32
    %add3A_47 = arith.constant 45 : i32
    %add3A_48 = arith.addi %mul3A_2, %add3A_47 : i32
    %jit3A = arith.constant 8 : i32
    %div3A = arith.divsi %add3A_48, %jit3A : i32
    %sign3A = arith.constant 0 : i32
    %sign3A_49 = arith.cmpi sgt, %add3A_48, %sign3A : i32
    %sign3A_50 = arith.extui %sign3A_49 : i1 to i32
    %sign3A_51 = arith.constant 0 : i32
    %sign3A_52 = arith.cmpi slt, %add3A_48, %sign3A_51 : i32
    %sign3A_53 = arith.extui %sign3A_52 : i1 to i32
    %sign3A_54 = arith.subi %sign3A_50, %sign3A_53 : i32
    %sign3A_55 = arith.constant 0 : i32
    %sign3A_56 = arith.cmpi sgt, %jit3A, %sign3A_55 : i32
    %sign3A_57 = arith.extui %sign3A_56 : i1 to i32
    %sign3A_58 = arith.constant 0 : i32
    %sign3A_59 = arith.cmpi slt, %jit3A, %sign3A_58 : i32
    %sign3A_60 = arith.extui %sign3A_59 : i1 to i32
    %sign3A_61 = arith.subi %sign3A_57, %sign3A_60 : i32
    %ne3A = arith.cmpi ne, %sign3A_54, %sign3A_61 : i32
    %rem3A = arith.remsi %add3A_48, %jit3A : i32
    %ne3A_62 = arith.constant 0 : i32
    %ne3A_63 = arith.cmpi ne, %rem3A, %ne3A_62 : i32
    %and3A = arith.andi %ne3A, %ne3A_63 : i1
    %sub3A = arith.constant 1 : i32
    %sub3A_64 = arith.subi %div3A, %sub3A : i32
    %select_n3A = arith.select %and3A, %sub3A_64, %div3A : i32
    %jit3A_65 = arith.constant 8 : i32
    %eq3A = arith.constant 0 : i32
    %eq3A_66 = arith.cmpi eq, %jit3A_65, %eq3A : i32
    %jit3A_67 = arith.constant 1 : i32
    %select_n3A_68 = arith.select %eq3A_66, %jit3A_67, %jit3A_65 : i32
    %rem3A_69 = arith.remsi %add3A_48, %select_n3A_68 : i32
    %ne3A_70 = arith.constant 0 : i32
    %ne3A_71 = arith.cmpi ne, %rem3A_69, %ne3A_70 : i32
    %lt3A = arith.constant 0 : i32
    %lt3A_72 = arith.cmpi slt, %rem3A_69, %lt3A : i32
    %lt3A_73 = arith.constant 0 : i32
    %lt3A_74 = arith.cmpi slt, %select_n3A_68, %lt3A_73 : i32
    %ne3A_75 = arith.xori %lt3A_72, %lt3A_74 : i1
    %and3A_76 = arith.andi %ne3A_75, %ne3A_71 : i1
    %add3A_77 = arith.addi %rem3A_69, %select_n3A_68 : i32
    %select_n3A_78 = arith.select %and3A_76, %add3A_77, %rem3A_69 : i32
    %dma_wait3A = arith.constant 0 : i32
    %dma_wait3A_79 = arith.constant 0 : i32
    %dma_wait3A_80 = arith.constant 0 : i32
    %dma_wait3A_81 = arith.constant 0 : i32
    %dma_wait3A_82 = tpu.memref_slice %arg5[%select_n3A, %dma_wait3A_79, %select_n3A_78, %dma_wait3A_80, %dma_wait3A_81] : memref<200x8x8x8x128xf32, #tpu.memory_space<hbm>> -> memref<1x8x1x8x128xf32, #tpu.memory_space<hbm>>
    %dma_wait3A_83 = tpu.memref_squeeze %dma_wait3A_82 : memref<1x8x1x8x128xf32, #tpu.memory_space<hbm>> -> memref<8x8x128xf32, #tpu.memory_space<hbm>>
    %dma_wait3A_84 = tpu.memref_slice %arg19[%dma_wait3A] : memref<5x!tpu.dma_semaphore, #tpu.memory_space<semaphore_mem>> -> memref<1x!tpu.dma_semaphore, #tpu.memory_space<semaphore_mem>>
    %dma_wait3A_85 = tpu.memref_squeeze %dma_wait3A_84 : memref<1x!tpu.dma_semaphore, #tpu.memory_space<semaphore_mem>> -> memref<!tpu.dma_semaphore, #tpu.memory_space<semaphore_mem>>
    %dma_wait3A_86 = arith.constant 0 : i32
    %dma_wait3A_87 = arith.constant 0 : i32
    %dma_wait3A_88 = arith.constant 0 : i32
    %dma_wait3A_89 = tpu.memref_slice %arg5[%select_n3A, %dma_wait3A_86, %select_n3A_78, %dma_wait3A_87, %dma_wait3A_88] : memref<200x8x8x8x128xf32, #tpu.memory_space<hbm>> -> memref<1x8x1x8x128xf32, #tpu.memory_space<hbm>>
    %dma_wait3A_90 = tpu.memref_squeeze %dma_wait3A_89 : memref<1x8x1x8x128xf32, #tpu.memory_space<hbm>> -> memref<8x8x128xf32, #tpu.memory_space<hbm>>
    tpu.wait_dma2 semaphore(%dma_wait3A_85 : memref<!tpu.dma_semaphore, #tpu.memory_space<semaphore_mem>>) src(%arg13 : memref<8x8x128xf32, #tpu.memory_space<vmem>>) dst(%dma_wait3A_90 : memref<8x8x128xf32, #tpu.memory_space<hbm>>)
    %add3A_91 = arith.constant 46 : i32
    %add3A_92 = arith.addi %mul3A_2, %add3A_91 : i32
    %jit3A_93 = arith.constant 8 : i32
    %div3A_94 = arith.divsi %add3A_92, %jit3A_93 : i32
    %sign3A_95 = arith.constant 0 : i32
    %sign3A_96 = arith.cmpi sgt, %add3A_92, %sign3A_95 : i32
    %sign3A_97 = arith.extui %sign3A_96 : i1 to i32
    %sign3A_98 = arith.constant 0 : i32
    %sign3A_99 = arith.cmpi slt, %add3A_92, %sign3A_98 : i32
    %sign3A_100 = arith.extui %sign3A_99 : i1 to i32
    %sign3A_101 = arith.subi %sign3A_97, %sign3A_100 : i32
    %sign3A_102 = arith.constant 0 : i32
    %sign3A_103 = arith.cmpi sgt, %jit3A_93, %sign3A_102 : i32
    %sign3A_104 = arith.extui %sign3A_103 : i1 to i32
    %sign3A_105 = arith.constant 0 : i32
    %sign3A_106 = arith.cmpi slt, %jit3A_93, %sign3A_105 : i32
    %sign3A_107 = arith.extui %sign3A_106 : i1 to i32
    %sign3A_108 = arith.subi %sign3A_104, %sign3A_107 : i32
    %ne3A_109 = arith.cmpi ne, %sign3A_101, %sign3A_108 : i32
    %rem3A_110 = arith.remsi %add3A_92, %jit3A_93 : i32
    %ne3A_111 = arith.constant 0 : i32
    %ne3A_112 = arith.cmpi ne, %rem3A_110, %ne3A_111 : i32
    %and3A_113 = arith.andi %ne3A_109, %ne3A_112 : i1
    %sub3A_114 = arith.constant 1 : i32
    %sub3A_115 = arith.subi %div3A_94, %sub3A_114 : i32
    %select_n3A_116 = arith.select %and3A_113, %sub3A_115, %div3A_94 : i32
    %jit3A_117 = arith.constant 8 : i32
    %eq3A_118 = arith.constant 0 : i32
    %eq3A_119 = arith.cmpi eq, %jit3A_117, %eq3A_118 : i32
    %jit3A_120 = arith.constant 1 : i32
    %select_n3A_121 = arith.select %eq3A_119, %jit3A_120, %jit3A_117 : i32
    %rem3A_122 = arith.remsi %add3A_92, %select_n3A_121 : i32
    %ne3A_123 = arith.constant 0 : i32
    %ne3A_124 = arith.cmpi ne, %rem3A_122, %ne3A_123 : i32
    %lt3A_125 = arith.constant 0 : i32
    %lt3A_126 = arith.cmpi slt, %rem3A_122, %lt3A_125 : i32
    %lt3A_127 = arith.constant 0 : i32
    %lt3A_128 = arith.cmpi slt, %select_n3A_121, %lt3A_127 : i32
    %ne3A_129 = arith.xori %lt3A_126, %lt3A_128 : i1
    %and3A_130 = arith.andi %ne3A_129, %ne3A_124 : i1
    %add3A_131 = arith.addi %rem3A_122, %select_n3A_121 : i32
    %select_n3A_132 = arith.select %and3A_130, %add3A_131, %rem3A_122 : i32
    %dma_wait3A_133 = arith.constant 1 : i32
    %dma_wait3A_134 = arith.constant 0 : i32
    %dma_wait3A_135 = arith.constant 0 : i32
    %dma_wait3A_136 = arith.constant 0 : i32
    %dma_wait3A_137 = tpu.memref_slice %arg5[%select_n3A_116, %dma_wait3A_134, %select_n3A_132, %dma_wait3A_135, %dma_wait3A_136] : memref<200x8x8x8x128xf32, #tpu.memory_space<hbm>> -> memref<1x8x1x8x128xf32, #tpu.memory_space<hbm>>
    %dma_wait3A_138 = tpu.memref_squeeze %dma_wait3A_137 : memref<1x8x1x8x128xf32, #tpu.memory_space<hbm>> -> memref<8x8x128xf32, #tpu.memory_space<hbm>>
    %dma_wait3A_139 = tpu.memref_slice %arg19[%dma_wait3A_133] : memref<5x!tpu.dma_semaphore, #tpu.memory_space<semaphore_mem>> -> memref<1x!tpu.dma_semaphore, #tpu.memory_space<semaphore_mem>>
    %dma_wait3A_140 = tpu.memref_squeeze %dma_wait3A_139 : memref<1x!tpu.dma_semaphore, #tpu.memory_space<semaphore_mem>> -> memref<!tpu.dma_semaphore, #tpu.memory_space<semaphore_mem>>
    %dma_wait3A_141 = arith.constant 0 : i32
    %dma_wait3A_142 = arith.constant 0 : i32
    %dma_wait3A_143 = arith.constant 0 : i32
    %dma_wait3A_144 = tpu.memref_slice %arg5[%select_n3A_116, %dma_wait3A_141, %select_n3A_132, %dma_wait3A_142, %dma_wait3A_143] : memref<200x8x8x8x128xf32, #tpu.memory_space<hbm>> -> memref<1x8x1x8x128xf32, #tpu.memory_space<hbm>>
    %dma_wait3A_145 = tpu.memref_squeeze %dma_wait3A_144 : memref<1x8x1x8x128xf32, #tpu.memory_space<hbm>> -> memref<8x8x128xf32, #tpu.memory_space<hbm>>
    tpu.wait_dma2 semaphore(%dma_wait3A_140 : memref<!tpu.dma_semaphore, #tpu.memory_space<semaphore_mem>>) src(%arg14 : memref<8x8x128xf32, #tpu.memory_space<vmem>>) dst(%dma_wait3A_145 : memref<8x8x128xf32, #tpu.memory_space<hbm>>)
    %add3A_146 = arith.constant 47 : i32
    %add3A_147 = arith.addi %mul3A_2, %add3A_146 : i32
    %jit3A_148 = arith.constant 8 : i32
    %div3A_149 = arith.divsi %add3A_147, %jit3A_148 : i32
    %sign3A_150 = arith.constant 0 : i32
    %sign3A_151 = arith.cmpi sgt, %add3A_147, %sign3A_150 : i32
    %sign3A_152 = arith.extui %sign3A_151 : i1 to i32
    %sign3A_153 = arith.constant 0 : i32
    %sign3A_154 = arith.cmpi slt, %add3A_147, %sign3A_153 : i32
    %sign3A_155 = arith.extui %sign3A_154 : i1 to i32
    %sign3A_156 = arith.subi %sign3A_152, %sign3A_155 : i32
    %sign3A_157 = arith.constant 0 : i32
    %sign3A_158 = arith.cmpi sgt, %jit3A_148, %sign3A_157 : i32
    %sign3A_159 = arith.extui %sign3A_158 : i1 to i32
    %sign3A_160 = arith.constant 0 : i32
    %sign3A_161 = arith.cmpi slt, %jit3A_148, %sign3A_160 : i32
    %sign3A_162 = arith.extui %sign3A_161 : i1 to i32
    %sign3A_163 = arith.subi %sign3A_159, %sign3A_162 : i32
    %ne3A_164 = arith.cmpi ne, %sign3A_156, %sign3A_163 : i32
    %rem3A_165 = arith.remsi %add3A_147, %jit3A_148 : i32
    %ne3A_166 = arith.constant 0 : i32
    %ne3A_167 = arith.cmpi ne, %rem3A_165, %ne3A_166 : i32
    %and3A_168 = arith.andi %ne3A_164, %ne3A_167 : i1
    %sub3A_169 = arith.constant 1 : i32
    %sub3A_170 = arith.subi %div3A_149, %sub3A_169 : i32
    %select_n3A_171 = arith.select %and3A_168, %sub3A_170, %div3A_149 : i32
    %jit3A_172 = arith.constant 8 : i32
    %eq3A_173 = arith.constant 0 : i32
    %eq3A_174 = arith.cmpi eq, %jit3A_172, %eq3A_173 : i32
    %jit3A_175 = arith.constant 1 : i32
    %select_n3A_176 = arith.select %eq3A_174, %jit3A_175, %jit3A_172 : i32
    %rem3A_177 = arith.remsi %add3A_147, %select_n3A_176 : i32
    %ne3A_178 = arith.constant 0 : i32
    %ne3A_179 = arith.cmpi ne, %rem3A_177, %ne3A_178 : i32
    %lt3A_180 = arith.constant 0 : i32
    %lt3A_181 = arith.cmpi slt, %rem3A_177, %lt3A_180 : i32
    %lt3A_182 = arith.constant 0 : i32
    %lt3A_183 = arith.cmpi slt, %select_n3A_176, %lt3A_182 : i32
    %ne3A_184 = arith.xori %lt3A_181, %lt3A_183 : i1
    %and3A_185 = arith.andi %ne3A_184, %ne3A_179 : i1
    %add3A_186 = arith.addi %rem3A_177, %select_n3A_176 : i32
    %select_n3A_187 = arith.select %and3A_185, %add3A_186, %rem3A_177 : i32
    %dma_wait3A_188 = arith.constant 2 : i32
    %dma_wait3A_189 = arith.constant 0 : i32
    %dma_wait3A_190 = arith.constant 0 : i32
    %dma_wait3A_191 = arith.constant 0 : i32
    %dma_wait3A_192 = tpu.memref_slice %arg5[%select_n3A_171, %dma_wait3A_189, %select_n3A_187, %dma_wait3A_190, %dma_wait3A_191] : memref<200x8x8x8x128xf32, #tpu.memory_space<hbm>> -> memref<1x8x1x8x128xf32, #tpu.memory_space<hbm>>
    %dma_wait3A_193 = tpu.memref_squeeze %dma_wait3A_192 : memref<1x8x1x8x128xf32, #tpu.memory_space<hbm>> -> memref<8x8x128xf32, #tpu.memory_space<hbm>>
    %dma_wait3A_194 = tpu.memref_slice %arg19[%dma_wait3A_188] : memref<5x!tpu.dma_semaphore, #tpu.memory_space<semaphore_mem>> -> memref<1x!tpu.dma_semaphore, #tpu.memory_space<semaphore_mem>>
    %dma_wait3A_195 = tpu.memref_squeeze %dma_wait3A_194 : memref<1x!tpu.dma_semaphore, #tpu.memory_space<semaphore_mem>> -> memref<!tpu.dma_semaphore, #tpu.memory_space<semaphore_mem>>
    %dma_wait3A_196 = arith.constant 0 : i32
    %dma_wait3A_197 = arith.constant 0 : i32
    %dma_wait3A_198 = arith.constant 0 : i32
    %dma_wait3A_199 = tpu.memref_slice %arg5[%select_n3A_171, %dma_wait3A_196, %select_n3A_187, %dma_wait3A_197, %dma_wait3A_198] : memref<200x8x8x8x128xf32, #tpu.memory_space<hbm>> -> memref<1x8x1x8x128xf32, #tpu.memory_space<hbm>>
    %dma_wait3A_200 = tpu.memref_squeeze %dma_wait3A_199 : memref<1x8x1x8x128xf32, #tpu.memory_space<hbm>> -> memref<8x8x128xf32, #tpu.memory_space<hbm>>
    tpu.wait_dma2 semaphore(%dma_wait3A_195 : memref<!tpu.dma_semaphore, #tpu.memory_space<semaphore_mem>>) src(%arg15 : memref<8x8x128xf32, #tpu.memory_space<vmem>>) dst(%dma_wait3A_200 : memref<8x8x128xf32, #tpu.memory_space<hbm>>)
    %add3A_201 = arith.constant 48 : i32
    %add3A_202 = arith.addi %mul3A_2, %add3A_201 : i32
    %jit3A_203 = arith.constant 8 : i32
    %div3A_204 = arith.divsi %add3A_202, %jit3A_203 : i32
    %sign3A_205 = arith.constant 0 : i32
    %sign3A_206 = arith.cmpi sgt, %add3A_202, %sign3A_205 : i32
    %sign3A_207 = arith.extui %sign3A_206 : i1 to i32
    %sign3A_208 = arith.constant 0 : i32
    %sign3A_209 = arith.cmpi slt, %add3A_202, %sign3A_208 : i32
    %sign3A_210 = arith.extui %sign3A_209 : i1 to i32
    %sign3A_211 = arith.subi %sign3A_207, %sign3A_210 : i32
    %sign3A_212 = arith.constant 0 : i32
    %sign3A_213 = arith.cmpi sgt, %jit3A_203, %sign3A_212 : i32
    %sign3A_214 = arith.extui %sign3A_213 : i1 to i32
    %sign3A_215 = arith.constant 0 : i32
    %sign3A_216 = arith.cmpi slt, %jit3A_203, %sign3A_215 : i32
    %sign3A_217 = arith.extui %sign3A_216 : i1 to i32
    %sign3A_218 = arith.subi %sign3A_214, %sign3A_217 : i32
    %ne3A_219 = arith.cmpi ne, %sign3A_211, %sign3A_218 : i32
    %rem3A_220 = arith.remsi %add3A_202, %jit3A_203 : i32
    %ne3A_221 = arith.constant 0 : i32
    %ne3A_222 = arith.cmpi ne, %rem3A_220, %ne3A_221 : i32
    %and3A_223 = arith.andi %ne3A_219, %ne3A_222 : i1
    %sub3A_224 = arith.constant 1 : i32
    %sub3A_225 = arith.subi %div3A_204, %sub3A_224 : i32
    %select_n3A_226 = arith.select %and3A_223, %sub3A_225, %div3A_204 : i32
    %jit3A_227 = arith.constant 8 : i32
    %eq3A_228 = arith.constant 0 : i32
    %eq3A_229 = arith.cmpi eq, %jit3A_227, %eq3A_228 : i32
    %jit3A_230 = arith.constant 1 : i32
    %select_n3A_231 = arith.select %eq3A_229, %jit3A_230, %jit3A_227 : i32
    %rem3A_232 = arith.remsi %add3A_202, %select_n3A_231 : i32
    %ne3A_233 = arith.constant 0 : i32
    %ne3A_234 = arith.cmpi ne, %rem3A_232, %ne3A_233 : i32
    %lt3A_235 = arith.constant 0 : i32
    %lt3A_236 = arith.cmpi slt, %rem3A_232, %lt3A_235 : i32
    %lt3A_237 = arith.constant 0 : i32
    %lt3A_238 = arith.cmpi slt, %select_n3A_231, %lt3A_237 : i32
    %ne3A_239 = arith.xori %lt3A_236, %lt3A_238 : i1
    %and3A_240 = arith.andi %ne3A_239, %ne3A_234 : i1
    %add3A_241 = arith.addi %rem3A_232, %select_n3A_231 : i32
    %select_n3A_242 = arith.select %and3A_240, %add3A_241, %rem3A_232 : i32
    %dma_wait3A_243 = arith.constant 3 : i32
    %dma_wait3A_244 = arith.constant 0 : i32
    %dma_wait3A_245 = arith.constant 0 : i32
    %dma_wait3A_246 = arith.constant 0 : i32
    %dma_wait3A_247 = tpu.memref_slice %arg5[%select_n3A_226, %dma_wait3A_244, %select_n3A_242, %dma_wait3A_245, %dma_wait3A_246] : memref<200x8x8x8x128xf32, #tpu.memory_space<hbm>> -> memref<1x8x1x8x128xf32, #tpu.memory_space<hbm>>
    %dma_wait3A_248 = tpu.memref_squeeze %dma_wait3A_247 : memref<1x8x1x8x128xf32, #tpu.memory_space<hbm>> -> memref<8x8x128xf32, #tpu.memory_space<hbm>>
    %dma_wait3A_249 = tpu.memref_slice %arg19[%dma_wait3A_243] : memref<5x!tpu.dma_semaphore, #tpu.memory_space<semaphore_mem>> -> memref<1x!tpu.dma_semaphore, #tpu.memory_space<semaphore_mem>>
    %dma_wait3A_250 = tpu.memref_squeeze %dma_wait3A_249 : memref<1x!tpu.dma_semaphore, #tpu.memory_space<semaphore_mem>> -> memref<!tpu.dma_semaphore, #tpu.memory_space<semaphore_mem>>
    %dma_wait3A_251 = arith.constant 0 : i32
    %dma_wait3A_252 = arith.constant 0 : i32
    %dma_wait3A_253 = arith.constant 0 : i32
    %dma_wait3A_254 = tpu.memref_slice %arg5[%select_n3A_226, %dma_wait3A_251, %select_n3A_242, %dma_wait3A_252, %dma_wait3A_253] : memref<200x8x8x8x128xf32, #tpu.memory_space<hbm>> -> memref<1x8x1x8x128xf32, #tpu.memory_space<hbm>>
    %dma_wait3A_255 = tpu.memref_squeeze %dma_wait3A_254 : memref<1x8x1x8x128xf32, #tpu.memory_space<hbm>> -> memref<8x8x128xf32, #tpu.memory_space<hbm>>
    tpu.wait_dma2 semaphore(%dma_wait3A_250 : memref<!tpu.dma_semaphore, #tpu.memory_space<semaphore_mem>>) src(%arg16 : memref<8x8x128xf32, #tpu.memory_space<vmem>>) dst(%dma_wait3A_255 : memref<8x8x128xf32, #tpu.memory_space<hbm>>)
    %add3A_256 = arith.constant 49 : i32
    %add3A_257 = arith.addi %mul3A_2, %add3A_256 : i32
    %jit3A_258 = arith.constant 8 : i32
    %div3A_259 = arith.divsi %add3A_257, %jit3A_258 : i32
    %sign3A_260 = arith.constant 0 : i32
    %sign3A_261 = arith.cmpi sgt, %add3A_257, %sign3A_260 : i32
    %sign3A_262 = arith.extui %sign3A_261 : i1 to i32
    %sign3A_263 = arith.constant 0 : i32
    %sign3A_264 = arith.cmpi slt, %add3A_257, %sign3A_263 : i32
    %sign3A_265 = arith.extui %sign3A_264 : i1 to i32
    %sign3A_266 = arith.subi %sign3A_262, %sign3A_265 : i32
    %sign3A_267 = arith.constant 0 : i32
    %sign3A_268 = arith.cmpi sgt, %jit3A_258, %sign3A_267 : i32
    %sign3A_269 = arith.extui %sign3A_268 : i1 to i32
    %sign3A_270 = arith.constant 0 : i32
    %sign3A_271 = arith.cmpi slt, %jit3A_258, %sign3A_270 : i32
    %sign3A_272 = arith.extui %sign3A_271 : i1 to i32
    %sign3A_273 = arith.subi %sign3A_269, %sign3A_272 : i32
    %ne3A_274 = arith.cmpi ne, %sign3A_266, %sign3A_273 : i32
    %rem3A_275 = arith.remsi %add3A_257, %jit3A_258 : i32
    %ne3A_276 = arith.constant 0 : i32
    %ne3A_277 = arith.cmpi ne, %rem3A_275, %ne3A_276 : i32
    %and3A_278 = arith.andi %ne3A_274, %ne3A_277 : i1
    %sub3A_279 = arith.constant 1 : i32
    %sub3A_280 = arith.subi %div3A_259, %sub3A_279 : i32
    %select_n3A_281 = arith.select %and3A_278, %sub3A_280, %div3A_259 : i32
    %jit3A_282 = arith.constant 8 : i32
    %eq3A_283 = arith.constant 0 : i32
    %eq3A_284 = arith.cmpi eq, %jit3A_282, %eq3A_283 : i32
    %jit3A_285 = arith.constant 1 : i32
    %select_n3A_286 = arith.select %eq3A_284, %jit3A_285, %jit3A_282 : i32
    %rem3A_287 = arith.remsi %add3A_257, %select_n3A_286 : i32
    %ne3A_288 = arith.constant 0 : i32
    %ne3A_289 = arith.cmpi ne, %rem3A_287, %ne3A_288 : i32
    %lt3A_290 = arith.constant 0 : i32
    %lt3A_291 = arith.cmpi slt, %rem3A_287, %lt3A_290 : i32
    %lt3A_292 = arith.constant 0 : i32
    %lt3A_293 = arith.cmpi slt, %select_n3A_286, %lt3A_292 : i32
    %ne3A_294 = arith.xori %lt3A_291, %lt3A_293 : i1
    %and3A_295 = arith.andi %ne3A_294, %ne3A_289 : i1
    %add3A_296 = arith.addi %rem3A_287, %select_n3A_286 : i32
    %select_n3A_297 = arith.select %and3A_295, %add3A_296, %rem3A_287 : i32
    %dma_wait3A_298 = arith.constant 4 : i32
    %dma_wait3A_299 = arith.constant 0 : i32
    %dma_wait3A_300 = arith.constant 0 : i32
    %dma_wait3A_301 = arith.constant 0 : i32
    %dma_wait3A_302 = tpu.memref_slice %arg5[%select_n3A_281, %dma_wait3A_299, %select_n3A_297, %dma_wait3A_300, %dma_wait3A_301] : memref<200x8x8x8x128xf32, #tpu.memory_space<hbm>> -> memref<1x8x1x8x128xf32, #tpu.memory_space<hbm>>
    %dma_wait3A_303 = tpu.memref_squeeze %dma_wait3A_302 : memref<1x8x1x8x128xf32, #tpu.memory_space<hbm>> -> memref<8x8x128xf32, #tpu.memory_space<hbm>>
    %dma_wait3A_304 = tpu.memref_slice %arg19[%dma_wait3A_298] : memref<5x!tpu.dma_semaphore, #tpu.memory_space<semaphore_mem>> -> memref<1x!tpu.dma_semaphore, #tpu.memory_space<semaphore_mem>>
    %dma_wait3A_305 = tpu.memref_squeeze %dma_wait3A_304 : memref<1x!tpu.dma_semaphore, #tpu.memory_space<semaphore_mem>> -> memref<!tpu.dma_semaphore, #tpu.memory_space<semaphore_mem>>
    %dma_wait3A_306 = arith.constant 0 : i32
    %dma_wait3A_307 = arith.constant 0 : i32
    %dma_wait3A_308 = arith.constant 0 : i32
    %dma_wait3A_309 = tpu.memref_slice %arg5[%select_n3A_281, %dma_wait3A_306, %select_n3A_297, %dma_wait3A_307, %dma_wait3A_308] : memref<200x8x8x8x128xf32, #tpu.memory_space<hbm>> -> memref<1x8x1x8x128xf32, #tpu.memory_space<hbm>>
    %dma_wait3A_310 = tpu.memref_squeeze %dma_wait3A_309 : memref<1x8x1x8x128xf32, #tpu.memory_space<hbm>> -> memref<8x8x128xf32, #tpu.memory_space<hbm>>
    tpu.wait_dma2 semaphore(%dma_wait3A_305 : memref<!tpu.dma_semaphore, #tpu.memory_space<semaphore_mem>>) src(%arg17 : memref<8x8x128xf32, #tpu.memory_space<vmem>>) dst(%dma_wait3A_310 : memref<8x8x128xf32, #tpu.memory_space<hbm>>)
    return
  }
}

</mosaic_0001>

<sc_bundles>
// kernel: kernel.3.cloned.1.call-start
scs
__scs_entry_jumppad:
0x0: {  	(pc) =	sbr.rel $0x88, $3  }
0x1: {  	(tag) =	ssettag $0x0;
	lr =	simm.s32 $0x1  }
0x2: {  	[smem:$0x3F9E] =	sst lr;
	_ =	strace $0xD0000000  }
0x3: {  	_ = 	snop  }
0x4: {  	_ = 	snop  }
0x5: {  	_ = 	snop  }
0x6: {  	_ = 	snop  }
0x7: {  	_ = 	snop  }
__scs_overlays_trampoline_lowered:
0x8: {  	[smem:$0x3FAD] =	sst s0  }
0x9: {  	[smem:$0x3FAE] =	sst s1  }
0xa: {  	[smem:$0x3FAF] =	sst s2  }
0xb: {  	[smem:$0x3FB0] =	sst s3  }
0xc: {  	[smem:$0x3FB1] =	sst s4  }
0xd: {  	[smem:$0x3FB2] =	sst s5  }
0xe: {  	[smem:$0x3FB3] =	sst s6  }
0xf: {  	[smem:$0x3FB4] =	sst s7  }
0x10: {  	[smem:$0x3FB5] =	sst s8  }
0x11: {  	[smem:$0x3FB6] =	sst s9;
	s0 =	simm.s32 @!p0 $0x0  }
0x12: {  	s1 =	sld [smem:$0x3F9C];
	s0 =	simm.s32 @p0 $0x1  }
0x13: {  	[smem:$0x3FB7] =	sst s0;
	s0 =	simm.s32 @!p1 $0x0  }
0x14: {  	s2 =	sld [smem:$0x3F9B];
	s0 =	simm.s32 @p1 $0x1  }
0x15: {  	[smem:$0x3FB8] =	sst s0;
	s0 =	simm.s32 @!p2 $0x0  }
0x16: {  	s3 =	sld [smem:$0x3FDB];
	s0 =	simm.s32 @p2 $0x1  }
0x17: {  	s4 =	simm.s32 $0x1BF5;
	[smem:$0x3FBA] =	sst s0  }
0x18: {  	s0 =	sld [smem:$0x3F9D];
	_ =	swait.ge [sflag:s4], $0x0  }
0x19: {  	s7 =	sld [smem:$0x3F9E]  }
0x1a: {  	s8 =	sadd.s32 $0xFFFFE003, lr  }
0x1b: {  	s9 =	sadd.s32 $0xFFFFFEF7, lr;
	s5 =	simm.s32 $0xFFFFFFFF;
	p2 =	slt.u32 s8, $0xFFFFF086  }
0x1c: {  	p1 =	slt.u32 s9, $0xF7A;
	s5 =	simm.s32 @!p2 $0x0  }
0x1d: {  	s5 =	simm.s32 @p1 $0x1;
	p0 =	seq.s32 s7, s2  }
0x1e: {  	s7 =	smul.u32 @!p0 $0xF7A, s2;
	p2 =	seq.s32 @!p0 s5, $0x0  }
0x1f: {  	s9 =	smul.u32 $0xF7A, s1;
	s8 =	simm.s32 @!p0 $0x1BF5;
	p2 =	por !p2, p0  }
0x20: {  	[sflag:s8] =	ssyncset.s32 @!p0 $0xFFFFF086;
	s6 =	sadd.s32 @!p0 s3, s7;
	s7 =	simm.s32 @!p0 $0x108  }
0x21: {  	s3 =	sadd.s32 s3, s9;
	s6 =	sadd.s32 @!p0 $0x88, s6;
	s7 =	simm.s32 @p2 $0x1082  }
0x22: {  	[simem:s7], [sflag:s8] =	dma.local @!p0 [hbm:s6], $0xF7A  }
0x23: {  	s9 =	sor.u32 $0xD0000000, s2;
	s6 =	simm.s32 $0x108;
	_ =	swait.ge @!p0 [sflag:s8], $0x0  }
0x24: {  	s3 =	sadd.s32 $0x88, s3;
	s6 =	simm.s32 @!p1 $0x1082;
	[sflag:s4] =	ssyncset.s32 $0xFFFFF086  }
0x25: {  	[simem:s6], [sflag:s4] =	dma.local [hbm:s3], $0xF7A  }
0x26: {  	[smem:$0x3F9E] =	sst s1;
	(tag) =	ssettag s2;
	_ =	strace s9  }
0x27: {  	s1 =	sld [smem:$0x3FAE]  }
0x28: {  	s2 =	sld [smem:$0x3FAF]  }
0x29: {  	s4 =	sld [smem:$0x3FB1]  }
0x2a: {  	p0 =	seq.s32 s5, $0x0;
	s5 =	sld [smem:$0x3FB2]  }
0x2b: {  	s6 =	sld [smem:$0x3FB3]  }
0x2c: {  	s7 =	sld [smem:$0x3FB4]  }
0x2d: {  	s3 =	simm.s32 $0x108;
	s8 =	sld [smem:$0x3FB5]  }
0x2e: {  	s3 =	simm.s32 @!p0 $0x1082;
	s9 =	sld [smem:$0x3FB6]  }
0x2f: {  	lr =	sadd.s32 s0, s3;
	s0 =	sld [smem:$0x3FAD]  }
0x30: {  	s3 =	sld [smem:$0x3FB0]  }
0x31: {  	[smem:$0x3FB9] =	sst s10  }
0x32: {  	s10 =	sld [smem:$0x3FB7];
	_ =	sdelay $0x3  }
0x33: {  	p0 =	seq.s32 s10, $0x1;
	s10 =	sld [smem:$0x3FB9];
	_ =	sdelay $0x3  }
0x34: {  	[smem:$0x3FB9] =	sst s10  }
0x35: {  	s10 =	sld [smem:$0x3FB8];
	_ =	sdelay $0x3  }
0x36: {  	p1 =	seq.s32 s10, $0x1;
	s10 =	sld [smem:$0x3FB9];
	_ =	sdelay $0x3  }
0x37: {  	[smem:$0x3FB9] =	sst s10  }
0x38: {  	s10 =	sld [smem:$0x3FBA]  }
0x39: {  	_ = 	snop;
	(pc) =	sbr.ind lr, $3  }
0x3a: {  	_ = 	snop  }
0x3b: {  	_ = 	snop  }
0x3c: {  	p2 =	seq.s32 s10, $0x1;
	s10 =	sld [smem:$0x3FB9]  }
0x3d: {  	_ =	shalt  }
0x3e: {  	_ =	shalt  }
0x3f: {  	_ =	shalt  }
0x40: {  	_ =	shalt  }
0x41: {  	_ =	shalt  }
0x42: {  	_ =	shalt  }
0x43: {  	_ =	shalt  }
0x44: {  	_ =	shalt  }
0x45: {  	_ =	shalt  }
0x46: {  	_ =	shalt  }
0x47: {  	_ =	shalt  }
0x48: {  	_ =	shalt  }
0x49: {  	_ =	shalt  }
0x4a: {  	_ =	shalt  }
0x4b: {  	_ =	shalt  }
0x4c: {  	_ =	shalt  }
0x4d: {  	_ =	shalt  }
0x4e: {  	_ =	shalt  }
0x4f: {  	_ =	shalt  }
0x50: {  	_ =	shalt  }
0x51: {  	_ =	shalt  }
0x52: {  	_ =	shalt  }
0x53: {  	_ =	shalt  }
0x54: {  	_ =	shalt  }
0x55: {  	_ =	shalt  }
0x56: {  	_ =	shalt  }
0x57: {  	_ =	shalt  }
0x58: {  	_ =	shalt  }
0x59: {  	_ =	shalt  }
0x5a: {  	_ =	shalt  }
0x5b: {  	_ =	shalt  }
0x5c: {  	_ =	shalt  }
0x5d: {  	_ =	shalt  }
0x5e: {  	_ =	shalt  }
0x5f: {  	_ =	shalt  }
0x60: {  	_ =	shalt  }
0x61: {  	_ =	shalt  }
0x62: {  	_ =	shalt  }
0x63: {  	_ =	shalt  }
0x64: {  	_ =	shalt  }
0x65: {  	_ =	shalt  }
0x66: {  	_ =	shalt  }
0x67: {  	_ =	shalt  }
0x68: {  	_ =	shalt  }
0x69: {  	_ =	shalt  }
0x6a: {  	_ =	shalt  }
0x6b: {  	_ =	shalt  }
0x6c: {  	_ =	shalt  }
0x6d: {  	_ =	shalt  }
0x6e: {  	_ =	shalt  }
0x6f: {  	_ =	shalt  }
0x70: {  	_ =	shalt  }
0x71: {  	_ =	shalt  }
0x72: {  	_ =	shalt  }
0x73: {  	_ =	shalt  }
0x74: {  	_ =	shalt  }
0x75: {  	_ =	shalt  }
0x76: {  	_ =	shalt  }
0x77: {  	_ =	shalt  }
0x78: {  	_ =	shalt  }
0x79: {  	_ =	shalt  }
0x7a: {  	_ =	shalt  }
0x7b: {  	_ =	shalt  }
0x7c: {  	_ =	shalt  }
0x7d: {  	_ =	shalt  }
0x7e: {  	_ =	shalt  }
0x7f: {  	_ =	shalt  }
0x80: {  	_ =	shalt  }
0x81: {  	_ =	shalt  }
0x82: {  	_ =	shalt  }
0x83: {  	_ =	shalt  }
0x84: {  	_ =	shalt  }
0x85: {  	_ =	shalt  }
0x86: {  	_ =	shalt  }
0x87: {  	_ =	shalt  }
.Lfunc_end0:
.L_simem_size_0:
called_computation_lowered:
.L_overlay_start_0:
0x88: {  	s2 =	sld [smem:$0x3FD9]  }
0x89: {  	s3 =	sld [smem:$0x3FFE];
	_ =	sdelay $0x1  }
0x8a: {  	s1 =	srdreg.scid  }
0x8b: {  	s0 =	sand.u32 $0x1, s1  }
0x8c: {  	s17 =	sshll.u32 s0, $0xA;
	s2 =	sadd.s32 s3, s2  }
0x8d: {  	s2 =	sadd.s32 s2, s17  }
0x8e: {  	[smem:$0x3FC5] =	sst s2  }
0x8f: {  	_ = 	snop  }
0x90: {  	s2 =	sld [smem:$0x3FD0];
	(tm) =	ssettm $0x1  }
0x91: {  	s18 =	sld [smem:$0x3FFB];
	_ =	sdelay $0x3  }
0x92: {  	_ =	strace s18  }
0x93: {  	s3 =	sld [smem:$0x3FFC];
	_ =	sdelay $0x3  }
0x94: {  	_ =	strace s3  }
0x95: {  	s3 =	sld [smem:$0x3FFD];
	_ =	sdelay $0x3  }
0x96: {  	_ =	strace s3  }
0x97: {  	_ =	strace $0x8FFFFFFF  }
0x98: {  	s19 =	sld [smem:$0x3FDB];
	_ =	sdelay $0x1  }
0x99: {  	s4 =	simm.s32 $_scs_section_size  }
0x9a: {  	s5 =	simm.s32 $_size__tile_overlayer_lowered;
	s6 =	simm.s32 $_tile_overlayer_lowered  }
0x9b: {  	s22 =	simm.s32 $0x1BFF;
	s21 =	sshll.u32 s6, $0x1;
	s3 =	sadd.s32 s4, s19  }
0x9c: {  	s7 =	simm.s32 $0x0;
	s20 =	sshll.u32 s5, $0x1;
	s5 =	sadd.s32 s21, s3  }
0x9d: {  	[timem:s7], [sflag:s22] =	dma.local [hbm:s5], s20  }
0x9e: {  	_ =	swait.ge [sflag:s22], s20  }
0x9f: {  	s4 =	ssub.s32 $0x0, s20;
	[sflag:s22] =	ssyncset.done $0x0  }
0xa0: {  	[sflag:s22] =	ssyncadd.s32 s4;
	_ =	sdelay $0x1  }
0xa1: {  	s23 =	simm.s32 $0x1B8B  }
0xa2: {  	_ =	swait.ge [sflag:s23], $0x1  }
0xa3: {  	[sflag:s23] =	ssyncset.done $0x0  }
0xa4: {  	s25 =	simm.s32 $0x1B8E;
	s24 =	sld [smem:$0x3FFE];
	[sflag:s23] =	ssyncadd.s32 $0xFFFFFFFF  }
0xa5: {  	s26 =	simm.s32 $execute0_lowered;
	[smem:$0x3FD2] =	sst s25  }
0xa6: {  	s5 =	sshll.u32 s26, $0x1;
	_ =	strace $0x80000046;
	[dreg:$0x1] =	wrdreg $0xFFFFFFFF  }
0xa7: {  	s28 =	simm.s32 $_size_execute0_lowered;
	s3 =	sadd.s32 s3, s5;
	[dreg:$0x0] =	wrdreg $0x0  }
0xa8: {  	s5 =	sshll.u32 s28, $0x1;
	[dreg:$0x2] =	wrdreg s3  }
0xa9: {  	[dreg:$0x3] =	wrdreg s5  }
0xaa: {  	[dreg:$0x4] =	wrdreg $0xC0  }
0xab: {  	_ =	task [dreg:s7], $0x5FFFF  }
0xac: {  	[dreg:$0x1] =	wrdreg $0xFFFFFFFF  }
0xad: {  	[dreg:$0x0] =	wrdreg $0x60  }
0xae: {  	[dreg:$0x2] =	wrdreg s24  }
0xaf: {  	[dreg:$0x3] =	wrdreg s2  }
0xb0: {  	[dreg:$0x4] =	wrdreg $0x9  }
0xb1: {  	_ =	task.clear_ibuf [dreg:s7], $0x5FFFF;
	_ =	strace $0x90000046  }
0xb2: {  	s29 =	simm.s32 $0x9;
	_ =	strace $0x80000048  }
0xb3: {  	_ =	swait.ge [sflag:s29], $0x1  }
0xb4: {  	[sflag:s29] =	ssyncadd.s32 $0xFFFFFFFF  }
0xb5: {  	_ =	strace $0x90000048  }
0xb6: {  	_ =	sfence  }
0xb7: {  	s30 =	sld [smem:$0x0];
	_ =	sdelay $0x2  }
0xb8: {  	s31 =	sshll.u32 s1, $0xD;
	s1 =	sshrl.u32 s1, $0x2  }
0xb9: {  	s3 =	sand.u32 $0x4000, s31;
	s1 =	sadd.s32 s1, s30  }
0xba: {  	s0 =	sor.u32 s3, s0;
	s1 =	sshll.u32 s1, $0x11  }
0xbb: {  	s0 =	sor.u32 s1, s0  }
0xbc: {  	s0 =	sadd.s32 $0x8F2B, s0  }
0xbd: {  	[sflag:s0] =	ssyncadd.remote.s32 $0x1  }
0xbe: {  	_ =	sfence.sel $0xFFFF  }
0xbf: {  	[dreg:$0x0] =	wrdreg $0xFFFFFFFF;
	(pc) =	sbr.abs _section_cstart, $3  }
0xc0: {  	[dreg:$0x1] =	wrdreg $0xFFFFFFFF  }
0xc1: {  	_ =	task.clear_ibuf [dreg:s7], $0x2FFFF;
	_ =	strace $0x9FFFFFFF  }
0xc2: {  	(tm) =	ssettm $0x7FFFFFFF  }
0xc3: {  	_ =	shalt  }
tec
execute0_lowered:
.L_overlay_start_1:
0x0: {  	(tag) =	ssettag $0x1  }
0x1: {  	s0 =	rddreg [dreg:$0x0];
	s1 =	srdreg.scid  }
0x2: {  	s3 =	stileid.u32;
	s2 =	rddreg [dreg:$0x1]  }
0x3: {  	s4 =	simm.s32 $0x0;
	s23 =	simm.s32 $0x80;
	s12 =	simm.s32 $0x3200  }
0x4: {  	s13 =	simm.s32 $0x5200;
	s15 =	simm.s32 $0x7200;
	s17 =	simm.s32 $0x9200  }
0x5: {  	s19 =	simm.s32 $0xD200;
	s20 =	simm.s32 $0x400;
	s21 =	simm.s32 $0x2000  }
0x6: {  	s22 =	simm.s32 $0xB200;
	s28 =	simm.s32 $0x4;
	s29 =	simm.s32 $0x13200  }
0x7: {  	s30 =	simm.s32 $0x5;
	s1 =	sand.u32 $0x1, s1;
	s3 =	sshll.u32 s3, $0x1  }
0x8: {  	s31 =	simm.s32 $0x15200;
	s3 =	sor.u32 s1, s3;
	s1 =	ssub.s32 $0x2, s1  }
0x9: {  	[smem:$0x7FF] =	sst s4;
	s5 =	smul.u32 $0x320, s3;
	s24 =	sshrl.u32 s1, $0x1  }
.Ltmp0:
0xa: {  	s4 =	sadd.s32 $0xCC00, s0;
	s1 =	ssub.s32 s1, s24;
	(pc) =	sbr.rel .LBB2_1-.Ltmp0, $4  }
0xb: {  	_ =	strace $0x80000047;
	s0 =	sadd.s32 s5, s0;
	s26 =	smax.u32 s1, $0x1  }
0xc: {  	v0 =	vlaneseq.u32;
	s24 =	simm.s32 $0xF200;
	s25 =	sadd.s32 $0x400, s0;
	[dreg:$0x5] =	wrdreg s26  }
0xd: {  	v1 =	vand.u32 $0x7, v0;
	s5 =	smul.u32 $0x32, s3;
	s0 =	sadd.s32 $0x6800, s0;
	[dreg:$0x3] =	wrdreg s25  }
0xe: {  	v3 =	vor.u32 $0x78, v0;
	v2 =	vmul.u32 $0x81, v1;
	s3 =	simm.s32 $0x0;
	s26 =	simm.s32 $0x11200;
	[dreg:$0x4] =	wrdreg s0  }
.LBB2_24:
0xf: {  	s0 =	simm.s32 $0x6  }
0x10: {  	_ =	swait.ge [sflag:s0], $0x2000  }
0x11: {  	[sflag:s0] =	ssyncset.done $0x0  }
0x12: {  	s14 =	simm.s32 $0x7;
	[sflag:s0] =	ssyncadd.s32 $0xFFFFE000  }
0x13: {  	_ =	swait.ge [sflag:s14], $0x2000  }
0x14: {  	[sflag:s14] =	ssyncset.done $0x0  }
0x15: {  	s16 =	simm.s32 $0x8;
	[sflag:s14] =	ssyncadd.s32 $0xFFFFE000  }
0x16: {  	_ =	swait.ge [sflag:s16], $0x2000  }
0x17: {  	[sflag:s16] =	ssyncset.done $0x0  }
0x18: {  	s18 =	simm.s32 $0x9;
	[sflag:s16] =	ssyncadd.s32 $0xFFFFE000  }
0x19: {  	_ =	swait.ge [sflag:s18], $0x2000  }
0x1a: {  	[sflag:s18] =	ssyncset.done $0x0  }
0x1b: {  	s1 =	simm.s32 $0xA;
	[sflag:s18] =	ssyncadd.s32 $0xFFFFE000  }
0x1c: {  	_ =	swait.ge [sflag:s1], $0x2000  }
0x1d: {  	s3 =	rddreg [dreg:$0x6]  }
0x1e: {  	s25 =	rddreg [dreg:$0x5];
	s3 =	sadd.s32 $0x1, s3  }
0x1f: {  	p0 =	sne.s32 s3, s25  }
.Ltmp1:
0x20: {  	_ = 	snop;
	(pc) =	sbr.rel @!p0 .LBB2_25-.Ltmp1, $3  }
0x21: {  	_ =	sdelay $0x1  }
0x22: {  	[sflag:s1] =	ssyncset.done $0x0  }
0x23: {  	[sflag:s1] =	ssyncadd.s32 $0xFFFFE000  }
.LBB2_1:
0x24: {  	[dreg:$0x6] =	wrdreg s3  }
0x25: {  	s0 =	simm.s32 $0x0;
	s1 =	rddreg [dreg:$0x3];
	s14 =	simm.s32 $0xB  }
0x26: {  	[tilespmem:s0], [sflag:$0xB] =	stream.linear.gather [hbm4b:s1+s0], $0x1900, $0x38;
	[tilespmem:$0x17200] =	vst v63  }
0x27: {  	_ =	swait.ge [sflag:s14], $0x1900  }
0x28: {  	[sflag:s14] =	ssyncset.done $0x0  }
0x29: {  	s6 =	simm.s32 $0x1900;
	s16 =	rddreg [dreg:$0x4];
	[sflag:s14] =	ssyncadd.s32 $0xFFFFE700  }
0x2a: {  	[tilespmem:s6], [sflag:$0xB] =	stream.linear.gather [hbm4b:s16+s0], $0x1900, $0x38;
	[tilespmem:$0x17200] =	vst v63  }
0x2b: {  	_ =	swait.ge [sflag:s14], $0x1900  }
0x2c: {  	[sflag:s14] =	ssyncset.done $0x0  }
0x2d: {  	[sflag:s14] =	ssyncadd.s32 $0xFFFFE700  }
0x2e: {  	[tilespmem:s12], [sflag:$0x1] =	stream.indirect.gather [hbm4b:s4+s23], $0x40, s0, s23, $0xb8;
	[tilespmem:$0x17200] =	vst v63  }
0x2f: {  	_ = 	snop  }
0x30: {  	[tilespmem:s13], [sflag:$0x2] =	stream.indirect.gather [hbm4b:s4+s23], $0x40, s23, s23, $0xb8;
	[tilespmem:$0x17200] =	vst v63  }
0x31: {  	s18 =	simm.s32 $0x100  }
0x32: {  	[tilespmem:s15], [sflag:$0x3] =	stream.indirect.gather [hbm4b:s4+s23], $0x40, s18, s23, $0xb8;
	[tilespmem:$0x17200] =	vst v63  }
0x33: {  	s25 =	simm.s32 $0x180;
	s7 =	simm.s32 $0x0  }
0x34: {  	[tilespmem:s17], [sflag:$0x4] =	stream.indirect.gather [hbm4b:s4+s23], $0x40, s25, s23, $0xb8;
	[tilespmem:$0x17200] =	vst v63  }
.LBB2_2:
0x35: {  	s1 =	simm.s32 $0x1  }
0x36: {  	_ =	swait.ge [sflag:s1], $0x2000  }
0x37: {  	p0 =	seq.s32 s7, $0x0;
	s10 =	smul.u32 $0xA00, s7;
	[sflag:s1] =	ssyncset.done $0x0  }
0x38: {  	s3 =	simm.s32 @!p0 $0x6;
	[sflag:s1] =	ssyncadd.s32 $0xFFFFE000  }
0x39: {  	s0 =	smul.u32 $0x5, s7;
	s8 =	sshra.s32 s10, $0x2;
	_ =	swait.ge @!p0 [sflag:s3], $0x2000  }
0x3a: {  	s14 =	simm.s32 $0x0;
	s6 =	sadd.s32 $0x1900, s8;
	[sflag:s3] =	ssyncset.done @!p0 $0x0  }
0x3b: {  	s1 =	sadd.s32 s5, s0;
	v4 =	vmov s6;
	[sflag:s3] =	ssyncadd.s32 @!p0 $0xFFFFE000;
	s3 =	simm.s32 $0x0  }
.LBB2_3:
0x3c: {  	s6 =	sshll.u32 s14, $0x4  }
0x3d: {  	s9 =	simm.s32 $0x1;
	v10 =	vadd.s32 s3, v0;
	s16 =	simm.s32 $0x2;
	s18 =	simm.s32 $0x4;
	v8 =	vor.u32 s6, v0  }
0x3e: {  	s11 =	simm.s32 $0x5;
	s25 =	simm.s32 $0x3;
	v11 =	vadd.s32 s9, v0;
	v13 =	vadd.s32 s16, v0;
	v14 =	vadd.s32 s18, v0  }
0x3f: {  	v12 =	vadd.s32 s11, v0;
	v16 =	vadd.s32 s25, v0;
	v18 =	vand.u32 $0x38, v10  }
0x40: {  	s18 =	simm.s32 $0x7;
	v10 =	vshll.u32 v10, $0x7;
	v5 =	vshll.u32 v8, $0x6;
	v7 =	vand.u32 $0x78, v8  }
0x41: {  	s25 =	simm.s32 $0x6;
	v8 =	vand.u32 v3, v8;
	v9 =	vand.u32 $0x3F, v11;
	v15 =	vadd.s32 s18, v0  }
0x42: {  	v19 =	vand.u32 $0x3F, v12;
	v20 =	vand.u32 $0x3F, v14;
	v21 =	vadd.s32 s25, v0  }
0x43: {  	v23 =	vand.u32 $0x3F, v13;
	v17 =	vand.u32 $0x3F, v15;
	v19 =	vor.u32 v5, v19  }
0x44: {  	v24 =	vand.u32 $0x3F, v16;
	v13 =	vshll.u32 v13, $0x7;
	v17 =	vor.u32 v5, v17  }
0x45: {  	v14 =	vshll.u32 v14, $0x7;
	v22 =	vor.u32 v5, v9;
	v9 =	vand.u32 $0x3F, v21  }
0x46: {  	v30 =	vand.u32 $0x1C00, v10;
	v11 =	vshll.u32 v11, $0x7;
	v25 =	vor.u32 v5, v9  }
0x47: {  	v6 =	vor.u32 v1, v5;
	v20 =	vor.u32 v5, v20;
	v15 =	vshll.u32 v15, $0x7;
	v9 =	vld.idx.msk [tilespmem:v4+s6+$0x0 ss:$0x1], $0xffff  }
0x48: {  	v27 =	vor.u32 v5, v23;
	v26 =	vor.u32 v18, v6;
	v18 =	vshll.u32 v21, $0x7;
	v21 =	vld.idx.msk [tilespmem:v19+s12+$0x0], $0xffff  }
0x49: {  	v28 =	vld.idx.msk [tilespmem:v17+s12+$0x0], $0xffff;
	v17 =	vand.u32 $0x1F80, v15;
	v15 =	vshll.u32 v16, $0x7;
	v16 =	vshll.u32 v12, $0x7  }
0x4a: {  	v24 =	vor.u32 v5, v24;
	v12 =	vld.idx.msk [tilespmem:v22+s12+$0x0], $0xffff;
	v29 =	vand.u32 $0x1F80, v15;
	v15 =	vand.u32 $0x1F80, v16  }
0x4b: {  	v7 =	vor.u32 v2, v7;
	v19 =	vand.u32 $0x1F80, v18;
	v18 =	vld.idx.msk [tilespmem:v25+s12+$0x0], $0xffff;
	v23 =	vor.u32 v15, v8  }
0x4c: {  	v10 =	vand.u32 $0x1F80, v13;
	v14 =	vand.u32 $0x1F80, v14;
	v13 =	vld.idx.msk [tilespmem:v20+s12+$0x0], $0xffff;
	v22 =	vor.u32 v17, v8  }
0x4d: {  	v11 =	vand.u32 $0x1F80, v11;
	v10 =	vor.u32 v10, v8;
	v20 =	vor.u32 v19, v8;
	v15 =	vld.idx.msk [tilespmem:v26+s12+$0x0], $0xffff  }
0x4e: {  	v19 =	vor.u32 v11, v8;
	v11 =	vor.u32 v14, v8;
	v16 =	vld.idx.msk [tilespmem:v27+s12+$0x0], $0xffff;
	v25 =	vmul.f32 v21, v9  }
0x4f: {  	s9 =	simm.s32 $0x8;
	v17 =	vld.idx.msk [tilespmem:v24+s12+$0x0], $0xffff;
	v14 =	vor.u32 v29, v8;
	v21 =	vor.u32 v30, v7;
	v24 =	vmul.f32 v28, v9  }
.LBB2_4:
0x50: {  	v26 =	vadd.s32 s9, v0;
	s6 =	sadd.s32 $0x1, s9;
	s11 =	sadd.s32 $0x2, s9;
	s16 =	sadd.s32 $0x3, s9;
	v12 =	vmul.f32 v12, v9;
	[tilespmem:v23+s19+$0x0] =	vst.idx.msk $0xffff, v25;
	v18 =	vmul.f32 v18, v9  }
0x51: {  	s18 =	sadd.s32 $0x6, s9;
	v13 =	vmul.f32 v13, v9;
	v25 =	vadd.s32 s6, v0;
	v23 =	vadd.s32 s11, v0;
	s6 =	sadd.s32 $0x4, s9;
	s11 =	sadd.s32 $0x5, s9;
	[tilespmem:v22+s19+$0x0] =	vst.idx.msk $0xffff, v24  }
0x52: {  	p1 =	slt.u32 s9, $0x38;
	v15 =	vmul.f32 v15, v9;
	v22 =	vadd.s32 s6, v0;
	v24 =	vadd.s32 s11, v0;
	s6 =	sadd.s32 $0x7, s9;
	s9 =	sadd.s32 $0x8, s9;
	[tilespmem:v20+s19+$0x0] =	vst.idx.msk $0xffff, v18  }
0x53: {  	v18 =	vand.u32 $0x3F, v25;
	v20 =	vadd.s32 s6, v0;
	[tilespmem:v19+s19+$0x0] =	vst.idx.msk $0xffff, v12;
	v12 =	vmul.f32 v16, v9  }
0x54: {  	v16 =	vadd.s32 s16, v0;
	v19 =	vand.u32 $0x3F, v20;
	[tilespmem:v21+s19+$0x0] =	vst.idx.msk $0xffff, v15;
	v15 =	vmul.f32 v17, v9  }
0x55: {  	v17 =	vand.u32 $0x38, v26;
	v21 =	vand.u32 $0x3F, v24;
	v19 =	vor.u32 v5, v19;
	[tilespmem:v10+s19+$0x0] =	vst.idx.msk $0xffff, v12  }
0x56: {  	v10 =	vand.u32 $0x3F, v22;
	v12 =	vor.u32 v5, v21;
	v21 =	vadd.s32 s18, v0;
	[tilespmem:v14+s19+$0x0] =	vst.idx.msk $0xffff, v15  }
0x57: {  	v14 =	vor.u32 v5, v18;
	v10 =	vor.u32 v5, v10;
	v15 =	vand.u32 $0x3F, v21;
	[tilespmem:v11+s19+$0x0] =	vst.idx.msk $0xffff, v13  }
0x58: {  	v11 =	vand.u32 $0x3F, v23;
	v13 =	vand.u32 $0x3F, v16;
	v15 =	vor.u32 v5, v15  }
0x59: {  	v17 =	vor.u32 v17, v6;
	v27 =	vor.u32 v5, v13;
	v13 =	vshll.u32 v20, $0x7  }
0x5a: {  	v18 =	vshll.u32 v21, $0x7;
	v11 =	vor.u32 v5, v11;
	v28 =	vld.idx.msk [tilespmem:v19+s12+$0x0], $0xffff;
	v19 =	vand.u32 $0x1F80, v13  }
0x5b: {  	v20 =	vand.u32 $0x1F80, v18;
	v13 =	vshll.u32 v16, $0x7;
	v16 =	vshll.u32 v24, $0x7;
	v21 =	vld.idx.msk [tilespmem:v12+s12+$0x0], $0xffff  }
0x5c: {  	v18 =	vshll.u32 v26, $0x7;
	v16 =	vand.u32 $0x1F80, v16;
	v12 =	vld.idx.msk [tilespmem:v14+s12+$0x0], $0xffff;
	v14 =	vand.u32 $0x1F80, v13  }
0x5d: {  	v22 =	vshll.u32 v22, $0x7;
	v24 =	vand.u32 $0x1C00, v18;
	v13 =	vshll.u32 v23, $0x7;
	v18 =	vld.idx.msk [tilespmem:v15+s12+$0x0], $0xffff  }
.Ltmp2:
0x5e: {  	v29 =	vand.u32 $0x1F80, v22;
	v23 =	vor.u32 v16, v8;
	v26 =	vand.u32 $0x1F80, v13;
	v13 =	vld.idx.msk [tilespmem:v10+s12+$0x0], $0xffff;
	(pc) =	sbr.rel @p1 .LBB2_4-.Ltmp2, $4  }
0x5f: {  	v22 =	vor.u32 v19, v8;
	v16 =	vshll.u32 v25, $0x7;
	v10 =	vor.u32 v26, v8;
	v15 =	vld.idx.msk [tilespmem:v17+s12+$0x0], $0xffff  }
0x60: {  	v20 =	vor.u32 v20, v8;
	v17 =	vand.u32 $0x1F80, v16;
	v16 =	vld.idx.msk [tilespmem:v11+s12+$0x0], $0xffff  }
0x61: {  	v19 =	vor.u32 v17, v8;
	v11 =	vor.u32 v29, v8;
	v25 =	vmul.f32 v21, v9;
	v17 =	vld.idx.msk [tilespmem:v27+s12+$0x0], $0xffff  }
0x62: {  	v14 =	vor.u32 v14, v8;
	v21 =	vor.u32 v24, v7;
	v24 =	vmul.f32 v28, v9  }
0x63: {  	_ =	sdelay $0x3  }
0x64: {  	[tilespmem:v23+s19+$0x0] =	vst.idx.msk $0xffff, v25;
	v5 =	vmul.f32 v18, v9  }
0x65: {  	v6 =	vmul.f32 v12, v9;
	s14 =	sadd.s32 $0x1, s14;
	[tilespmem:v22+s19+$0x0] =	vst.idx.msk $0xffff, v24  }
0x66: {  	v7 =	vmul.f32 v15, v9;
	p1 =	sne.s32 s14, $0x8;
	[tilespmem:v20+s19+$0x0] =	vst.idx.msk $0xffff, v5  }
.Ltmp3:
0x67: {  	[tilespmem:v19+s19+$0x0] =	vst.idx.msk $0xffff, v6;
	v5 =	vmul.f32 v16, v9;
	(pc) =	sbr.rel @p1 .LBB2_3-.Ltmp3, $4  }
0x68: {  	[tilespmem:v21+s19+$0x0] =	vst.idx.msk $0xffff, v7;
	v6 =	vmul.f32 v17, v9  }
0x69: {  	v7 =	vmul.f32 v13, v9;
	[tilespmem:v10+s19+$0x0] =	vst.idx.msk $0xffff, v5  }
0x6a: {  	[tilespmem:v14+s19+$0x0] =	vst.idx.msk $0xffff, v6  }
0x6b: {  	[tilespmem:v11+s19+$0x0] =	vst.idx.msk $0xffff, v7  }
0x6c: {  	s3 =	sshll.u32 s1, $0x7  }
0x6d: {  	s16 =	sshll.u32 s1, $0xA;
	s3 =	sand.u32 $0x380, s3  }
0x6e: {  	s1 =	sand.u32 $0xFFFE000, s16;
	s3 =	sadd.s32 s2, s3  }
0x6f: {  	s1 =	sadd.s32 s1, s3;
	s3 =	sadd.s32 $0x4, s0  }
0x70: {  	[hbm4b:s1+s20] =	stream.strided.scatter [tilespmem:s19], [sflag:$0x6], $0x2000, s21, s20, $0x38;
	[tilespmem:$0x17200] =	vst v63  }
0x71: {  	s18 =	sshll.u32 s3, $0x9  }
0x72: {  	s9 =	simm.s32 $0x2;
	s1 =	sshrl.u32 s18, $0x2  }
0x73: {  	[tilespmem:s22], [sflag:$0x5] =	stream.indirect.gather [hbm4b:s4+s23], $0x40, s1, s23, $0xb8;
	[tilespmem:$0x17200] =	vst v63  }
0x74: {  	_ =	swait.ge [sflag:s9], $0x2000  }
0x75: {  	s6 =	sadd.s32 $0x1, s0;
	[sflag:s9] =	ssyncset.done $0x0  }
0x76: {  	s11 =	sshll.u32 s6, $0x7;
	[sflag:s9] =	ssyncadd.s32 $0xFFFFE000;
	s9 =	simm.s32 @!p0 $0x7  }
0x77: {  	s11 =	sand.u32 $0x3FFFFF80, s11;
	_ =	swait.ge @!p0 [sflag:s9], $0x2000  }
0x78: {  	s14 =	sadd.s32 s5, s6;
	s25 =	sadd.s32 $0x1900, s11;
	[sflag:s9] =	ssyncset.done @!p0 $0x0  }
0x79: {  	s16 =	simm.s32 $0x0;
	v4 =	vmov s25;
	[sflag:s9] =	ssyncadd.s32 @!p0 $0xFFFFE000;
	s9 =	simm.s32 $0x0  }
.LBB2_7:
0x7a: {  	s6 =	sshll.u32 s9, $0x4  }
0x7b: {  	s11 =	simm.s32 $0x1;
	v10 =	vadd.s32 s16, v0;
	s18 =	simm.s32 $0x2;
	s23 =	simm.s32 $0x5;
	v8 =	vor.u32 s6, v0  }
0x7c: {  	s25 =	simm.s32 $0x3;
	v11 =	vadd.s32 s11, v0;
	v13 =	vadd.s32 s18, v0;
	v12 =	vadd.s32 s23, v0  }
0x7d: {  	v16 =	vadd.s32 s25, v0;
	v18 =	vand.u32 $0x38, v10;
	v10 =	vshll.u32 v10, $0x7  }
0x7e: {  	s11 =	simm.s32 $0x4;
	s23 =	simm.s32 $0x7;
	v5 =	vshll.u32 v8, $0x6;
	v7 =	vand.u32 $0x78, v8;
	v8 =	vand.u32 v3, v8  }
0x7f: {  	s25 =	simm.s32 $0x6;
	v14 =	vadd.s32 s11, v0;
	v9 =	vand.u32 $0x3F, v11;
	v15 =	vadd.s32 s23, v0  }
0x80: {  	v19 =	vand.u32 $0x3F, v12;
	v21 =	vadd.s32 s25, v0;
	v23 =	vand.u32 $0x3F, v13  }
0x81: {  	v24 =	vand.u32 $0x3F, v16;
	v17 =	vand.u32 $0x3F, v15;
	v19 =	vor.u32 v5, v19  }
0x82: {  	v13 =	vshll.u32 v13, $0x7;
	v30 =	vand.u32 $0x1C00, v10;
	v17 =	vor.u32 v5, v17  }
0x83: {  	v11 =	vshll.u32 v11, $0x7;
	v22 =	vor.u32 v5, v9;
	v9 =	vand.u32 $0x3F, v21  }
0x84: {  	v6 =	vor.u32 v1, v5;
	v20 =	vand.u32 $0x3F, v14;
	v25 =	vor.u32 v5, v9  }
0x85: {  	v7 =	vor.u32 v2, v7;
	v15 =	vshll.u32 v15, $0x7;
	v20 =	vor.u32 v5, v20;
	v9 =	vld.idx.msk [tilespmem:v4+s6+$0x0 ss:$0x1], $0xffff  }
0x86: {  	v27 =	vor.u32 v5, v23;
	v26 =	vor.u32 v18, v6;
	v18 =	vshll.u32 v21, $0x7;
	v21 =	vld.idx.msk [tilespmem:v19+s13+$0x0], $0xffff  }
0x87: {  	v28 =	vld.idx.msk [tilespmem:v17+s13+$0x0], $0xffff;
	v17 =	vand.u32 $0x1F80, v15;
	v15 =	vshll.u32 v16, $0x7;
	v16 =	vshll.u32 v12, $0x7  }
0x88: {  	v24 =	vor.u32 v5, v24;
	v12 =	vld.idx.msk [tilespmem:v22+s13+$0x0], $0xffff;
	v29 =	vand.u32 $0x1F80, v15;
	v15 =	vand.u32 $0x1F80, v16  }
0x89: {  	v14 =	vshll.u32 v14, $0x7;
	v19 =	vand.u32 $0x1F80, v18;
	v18 =	vld.idx.msk [tilespmem:v25+s13+$0x0], $0xffff;
	v23 =	vor.u32 v15, v8  }
0x8a: {  	v10 =	vand.u32 $0x1F80, v13;
	v11 =	vand.u32 $0x1F80, v11;
	v13 =	vld.idx.msk [tilespmem:v20+s13+$0x0], $0xffff;
	v22 =	vor.u32 v17, v8  }
0x8b: {  	v14 =	vand.u32 $0x1F80, v14;
	v10 =	vor.u32 v10, v8;
	v20 =	vor.u32 v19, v8;
	v15 =	vld.idx.msk [tilespmem:v26+s13+$0x0], $0xffff  }
0x8c: {  	v19 =	vor.u32 v11, v8;
	v11 =	vor.u32 v14, v8;
	v16 =	vld.idx.msk [tilespmem:v27+s13+$0x0], $0xffff;
	v25 =	vmul.f32 v21, v9  }
0x8d: {  	s6 =	simm.s32 $0x8;
	v17 =	vld.idx.msk [tilespmem:v24+s13+$0x0], $0xffff;
	v14 =	vor.u32 v29, v8;
	v21 =	vor.u32 v30, v7;
	v24 =	vmul.f32 v28, v9  }
.LBB2_8:
0x8e: {  	v26 =	vadd.s32 s6, v0;
	s11 =	sadd.s32 $0x1, s6;
	s18 =	sadd.s32 $0x2, s6;
	s23 =	sadd.s32 $0x3, s6;
	v12 =	vmul.f32 v12, v9;
	[tilespmem:v23+s24+$0x0] =	vst.idx.msk $0xffff, v25;
	v18 =	vmul.f32 v18, v9  }
0x8f: {  	s25 =	sadd.s32 $0x6, s6;
	v13 =	vmul.f32 v13, v9;
	v25 =	vadd.s32 s11, v0;
	v23 =	vadd.s32 s18, v0;
	s11 =	sadd.s32 $0x4, s6;
	s18 =	sadd.s32 $0x5, s6;
	[tilespmem:v22+s24+$0x0] =	vst.idx.msk $0xffff, v24  }
0x90: {  	p1 =	slt.u32 s6, $0x38;
	v15 =	vmul.f32 v15, v9;
	v22 =	vadd.s32 s11, v0;
	v24 =	vadd.s32 s18, v0;
	s11 =	sadd.s32 $0x7, s6;
	s6 =	sadd.s32 $0x8, s6;
	[tilespmem:v20+s24+$0x0] =	vst.idx.msk $0xffff, v18  }
0x91: {  	v18 =	vand.u32 $0x3F, v25;
	v20 =	vadd.s32 s11, v0;
	[tilespmem:v19+s24+$0x0] =	vst.idx.msk $0xffff, v12;
	v12 =	vmul.f32 v16, v9  }
0x92: {  	v16 =	vadd.s32 s23, v0;
	v19 =	vand.u32 $0x3F, v20;
	[tilespmem:v21+s24+$0x0] =	vst.idx.msk $0xffff, v15;
	v15 =	vmul.f32 v17, v9  }
0x93: {  	v17 =	vand.u32 $0x38, v26;
	v21 =	vand.u32 $0x3F, v24;
	v19 =	vor.u32 v5, v19;
	[tilespmem:v10+s24+$0x0] =	vst.idx.msk $0xffff, v12  }
0x94: {  	v10 =	vand.u32 $0x3F, v22;
	v12 =	vor.u32 v5, v21;
	v21 =	vadd.s32 s25, v0;
	[tilespmem:v14+s24+$0x0] =	vst.idx.msk $0xffff, v15  }
0x95: {  	v14 =	vor.u32 v5, v18;
	v10 =	vor.u32 v5, v10;
	v15 =	vand.u32 $0x3F, v21;
	[tilespmem:v11+s24+$0x0] =	vst.idx.msk $0xffff, v13  }
0x96: {  	v11 =	vand.u32 $0x3F, v23;
	v13 =	vand.u32 $0x3F, v16;
	v15 =	vor.u32 v5, v15  }
0x97: {  	v17 =	vor.u32 v17, v6;
	v27 =	vor.u32 v5, v13;
	v13 =	vshll.u32 v20, $0x7  }
0x98: {  	v18 =	vshll.u32 v21, $0x7;
	v11 =	vor.u32 v5, v11;
	v28 =	vld.idx.msk [tilespmem:v19+s13+$0x0], $0xffff;
	v19 =	vand.u32 $0x1F80, v13  }
0x99: {  	v20 =	vand.u32 $0x1F80, v18;
	v13 =	vshll.u32 v16, $0x7;
	v16 =	vshll.u32 v24, $0x7;
	v21 =	vld.idx.msk [tilespmem:v12+s13+$0x0], $0xffff  }
0x9a: {  	v18 =	vshll.u32 v26, $0x7;
	v16 =	vand.u32 $0x1F80, v16;
	v12 =	vld.idx.msk [tilespmem:v14+s13+$0x0], $0xffff;
	v14 =	vand.u32 $0x1F80, v13  }
0x9b: {  	v22 =	vshll.u32 v22, $0x7;
	v24 =	vand.u32 $0x1C00, v18;
	v13 =	vshll.u32 v23, $0x7;
	v18 =	vld.idx.msk [tilespmem:v15+s13+$0x0], $0xffff  }
.Ltmp4:
0x9c: {  	v29 =	vand.u32 $0x1F80, v22;
	v23 =	vor.u32 v16, v8;
	v26 =	vand.u32 $0x1F80, v13;
	v13 =	vld.idx.msk [tilespmem:v10+s13+$0x0], $0xffff;
	(pc) =	sbr.rel @p1 .LBB2_8-.Ltmp4, $4  }
0x9d: {  	v22 =	vor.u32 v19, v8;
	v16 =	vshll.u32 v25, $0x7;
	v10 =	vor.u32 v26, v8;
	v15 =	vld.idx.msk [tilespmem:v17+s13+$0x0], $0xffff  }
0x9e: {  	v20 =	vor.u32 v20, v8;
	v17 =	vand.u32 $0x1F80, v16;
	v16 =	vld.idx.msk [tilespmem:v11+s13+$0x0], $0xffff  }
0x9f: {  	v19 =	vor.u32 v17, v8;
	v11 =	vor.u32 v29, v8;
	v25 =	vmul.f32 v21, v9;
	v17 =	vld.idx.msk [tilespmem:v27+s13+$0x0], $0xffff  }
0xa0: {  	v14 =	vor.u32 v14, v8;
	v21 =	vor.u32 v24, v7;
	v24 =	vmul.f32 v28, v9  }
0xa1: {  	_ =	sdelay $0x3  }
0xa2: {  	[tilespmem:v23+s24+$0x0] =	vst.idx.msk $0xffff, v25;
	v5 =	vmul.f32 v18, v9  }
0xa3: {  	v6 =	vmul.f32 v12, v9;
	s9 =	sadd.s32 $0x1, s9;
	[tilespmem:v22+s24+$0x0] =	vst.idx.msk $0xffff, v24  }
0xa4: {  	v7 =	vmul.f32 v15, v9;
	p1 =	sne.s32 s9, $0x8;
	[tilespmem:v20+s24+$0x0] =	vst.idx.msk $0xffff, v5  }
.Ltmp5:
0xa5: {  	[tilespmem:v19+s24+$0x0] =	vst.idx.msk $0xffff, v6;
	v5 =	vmul.f32 v16, v9;
	(pc) =	sbr.rel @p1 .LBB2_7-.Ltmp5, $4  }
0xa6: {  	[tilespmem:v21+s24+$0x0] =	vst.idx.msk $0xffff, v7;
	v6 =	vmul.f32 v17, v9  }
0xa7: {  	v7 =	vmul.f32 v13, v9;
	[tilespmem:v10+s24+$0x0] =	vst.idx.msk $0xffff, v5  }
0xa8: {  	[tilespmem:v14+s24+$0x0] =	vst.idx.msk $0xffff, v6  }
0xa9: {  	[tilespmem:v11+s24+$0x0] =	vst.idx.msk $0xffff, v7  }
0xaa: {  	s6 =	sshll.u32 s14, $0x7  }
0xab: {  	s9 =	sshll.u32 s14, $0xA;
	s6 =	sand.u32 $0x380, s6  }
0xac: {  	p1 =	seq.s32 s7, $0x9;
	s9 =	sand.u32 $0xFFFE000, s9;
	s6 =	sadd.s32 s2, s6  }
0xad: {  	s16 =	simm.s32 $0x3;
	s10 =	sshra.s32 @!p1 s10, $0x2;
	s6 =	sadd.s32 s9, s6  }
0xae: {  	[hbm4b:s6+s20] =	stream.strided.scatter [tilespmem:s24], [sflag:$0x7], $0x2000, s21, s20, $0x38;
	[tilespmem:$0x17200] =	vst v63  }
0xaf: {  	s11 =	simm.s32 @!p1 $0x3200;
	s9 =	simm.s32 @!p1 $0x80;
	s6 =	sadd.s32 @!p1 $0x280, s10  }
0xb0: {  	[tilespmem:s11], [sflag:$0x1] =	stream.indirect.gather @!p1 [hbm4b:s4+s9], $0x40, s6, s9, $0xb8;
	[tilespmem:$0x17200] =	vst v63  }
0xb1: {  	_ =	swait.ge [sflag:s16], $0x2000  }
0xb2: {  	s18 =	sadd.s32 $0x2, s0;
	[sflag:s16] =	ssyncset.done $0x0  }
0xb3: {  	s23 =	sshll.u32 s18, $0x7;
	s9 =	simm.s32 @!p0 $0x8;
	[sflag:s16] =	ssyncadd.s32 $0xFFFFE000  }
0xb4: {  	s11 =	sand.u32 $0x3FFFFF80, s23;
	_ =	swait.ge @!p0 [sflag:s9], $0x2000  }
0xb5: {  	s14 =	sadd.s32 s5, s18;
	s25 =	sadd.s32 $0x1900, s11;
	[sflag:s9] =	ssyncset.done @!p0 $0x0  }
0xb6: {  	v4 =	vmov s25;
	s16 =	simm.s32 $0x0;
	[sflag:s9] =	ssyncadd.s32 @!p0 $0xFFFFE000;
	s9 =	simm.s32 $0x0  }
.LBB2_11:
0xb7: {  	s6 =	sshll.u32 s9, $0x4  }
0xb8: {  	s11 =	simm.s32 $0x1;
	v10 =	vadd.s32 s16, v0;
	s18 =	simm.s32 $0x2;
	s23 =	simm.s32 $0x5;
	v8 =	vor.u32 s6, v0  }
0xb9: {  	s25 =	simm.s32 $0x3;
	v11 =	vadd.s32 s11, v0;
	v13 =	vadd.s32 s18, v0;
	v12 =	vadd.s32 s23, v0  }
0xba: {  	v16 =	vadd.s32 s25, v0;
	v18 =	vand.u32 $0x38, v10;
	v10 =	vshll.u32 v10, $0x7  }
0xbb: {  	s11 =	simm.s32 $0x4;
	s23 =	simm.s32 $0x7;
	v5 =	vshll.u32 v8, $0x6;
	v7 =	vand.u32 $0x78, v8;
	v8 =	vand.u32 v3, v8  }
0xbc: {  	s25 =	simm.s32 $0x6;
	v14 =	vadd.s32 s11, v0;
	v9 =	vand.u32 $0x3F, v11;
	v15 =	vadd.s32 s23, v0  }
0xbd: {  	v19 =	vand.u32 $0x3F, v12;
	v21 =	vadd.s32 s25, v0;
	v23 =	vand.u32 $0x3F, v13  }
0xbe: {  	v24 =	vand.u32 $0x3F, v16;
	v17 =	vand.u32 $0x3F, v15;
	v19 =	vor.u32 v5, v19  }
0xbf: {  	v13 =	vshll.u32 v13, $0x7;
	v30 =	vand.u32 $0x1C00, v10;
	v17 =	vor.u32 v5, v17  }
0xc0: {  	v11 =	vshll.u32 v11, $0x7;
	v22 =	vor.u32 v5, v9;
	v9 =	vand.u32 $0x3F, v21  }
0xc1: {  	v6 =	vor.u32 v1, v5;
	v20 =	vand.u32 $0x3F, v14;
	v25 =	vor.u32 v5, v9  }
0xc2: {  	v7 =	vor.u32 v2, v7;
	v15 =	vshll.u32 v15, $0x7;
	v20 =	vor.u32 v5, v20;
	v9 =	vld.idx.msk [tilespmem:v4+s6+$0x0 ss:$0x1], $0xffff  }
0xc3: {  	v27 =	vor.u32 v5, v23;
	v26 =	vor.u32 v18, v6;
	v18 =	vshll.u32 v21, $0x7;
	v21 =	vld.idx.msk [tilespmem:v19+s15+$0x0], $0xffff  }
0xc4: {  	v28 =	vld.idx.msk [tilespmem:v17+s15+$0x0], $0xffff;
	v17 =	vand.u32 $0x1F80, v15;
	v15 =	vshll.u32 v16, $0x7;
	v16 =	vshll.u32 v12, $0x7  }
0xc5: {  	v24 =	vor.u32 v5, v24;
	v12 =	vld.idx.msk [tilespmem:v22+s15+$0x0], $0xffff;
	v29 =	vand.u32 $0x1F80, v15;
	v15 =	vand.u32 $0x1F80, v16  }
0xc6: {  	v14 =	vshll.u32 v14, $0x7;
	v19 =	vand.u32 $0x1F80, v18;
	v18 =	vld.idx.msk [tilespmem:v25+s15+$0x0], $0xffff;
	v23 =	vor.u32 v15, v8  }
0xc7: {  	v10 =	vand.u32 $0x1F80, v13;
	v11 =	vand.u32 $0x1F80, v11;
	v13 =	vld.idx.msk [tilespmem:v20+s15+$0x0], $0xffff;
	v22 =	vor.u32 v17, v8  }
0xc8: {  	v14 =	vand.u32 $0x1F80, v14;
	v10 =	vor.u32 v10, v8;
	v20 =	vor.u32 v19, v8;
	v15 =	vld.idx.msk [tilespmem:v26+s15+$0x0], $0xffff  }
0xc9: {  	v19 =	vor.u32 v11, v8;
	v11 =	vor.u32 v14, v8;
	v16 =	vld.idx.msk [tilespmem:v27+s15+$0x0], $0xffff;
	v25 =	vmul.f32 v21, v9  }
0xca: {  	s6 =	simm.s32 $0x8;
	v17 =	vld.idx.msk [tilespmem:v24+s15+$0x0], $0xffff;
	v14 =	vor.u32 v29, v8;
	v21 =	vor.u32 v30, v7;
	v24 =	vmul.f32 v28, v9  }
.LBB2_12:
0xcb: {  	v26 =	vadd.s32 s6, v0;
	s11 =	sadd.s32 $0x1, s6;
	s18 =	sadd.s32 $0x2, s6;
	s23 =	sadd.s32 $0x3, s6;
	v12 =	vmul.f32 v12, v9;
	[tilespmem:v23+s26+$0x0] =	vst.idx.msk $0xffff, v25;
	v18 =	vmul.f32 v18, v9  }
0xcc: {  	s25 =	sadd.s32 $0x6, s6;
	v13 =	vmul.f32 v13, v9;
	v25 =	vadd.s32 s11, v0;
	v23 =	vadd.s32 s18, v0;
	s11 =	sadd.s32 $0x4, s6;
	s18 =	sadd.s32 $0x5, s6;
	[tilespmem:v22+s26+$0x0] =	vst.idx.msk $0xffff, v24  }
0xcd: {  	p2 =	slt.u32 s6, $0x38;
	v15 =	vmul.f32 v15, v9;
	v22 =	vadd.s32 s11, v0;
	v24 =	vadd.s32 s18, v0;
	s11 =	sadd.s32 $0x7, s6;
	s6 =	sadd.s32 $0x8, s6;
	[tilespmem:v20+s26+$0x0] =	vst.idx.msk $0xffff, v18  }
0xce: {  	v18 =	vand.u32 $0x3F, v25;
	v20 =	vadd.s32 s11, v0;
	[tilespmem:v19+s26+$0x0] =	vst.idx.msk $0xffff, v12;
	v12 =	vmul.f32 v16, v9  }
0xcf: {  	v16 =	vadd.s32 s23, v0;
	v19 =	vand.u32 $0x3F, v20;
	[tilespmem:v21+s26+$0x0] =	vst.idx.msk $0xffff, v15;
	v15 =	vmul.f32 v17, v9  }
0xd0: {  	v17 =	vand.u32 $0x38, v26;
	v21 =	vand.u32 $0x3F, v24;
	v19 =	vor.u32 v5, v19;
	[tilespmem:v10+s26+$0x0] =	vst.idx.msk $0xffff, v12  }
0xd1: {  	v10 =	vand.u32 $0x3F, v22;
	v12 =	vor.u32 v5, v21;
	v21 =	vadd.s32 s25, v0;
	[tilespmem:v14+s26+$0x0] =	vst.idx.msk $0xffff, v15  }
0xd2: {  	v14 =	vor.u32 v5, v18;
	v10 =	vor.u32 v5, v10;
	v15 =	vand.u32 $0x3F, v21;
	[tilespmem:v11+s26+$0x0] =	vst.idx.msk $0xffff, v13  }
0xd3: {  	v11 =	vand.u32 $0x3F, v23;
	v13 =	vand.u32 $0x3F, v16;
	v15 =	vor.u32 v5, v15  }
0xd4: {  	v17 =	vor.u32 v17, v6;
	v27 =	vor.u32 v5, v13;
	v13 =	vshll.u32 v20, $0x7  }
0xd5: {  	v18 =	vshll.u32 v21, $0x7;
	v11 =	vor.u32 v5, v11;
	v28 =	vld.idx.msk [tilespmem:v19+s15+$0x0], $0xffff;
	v19 =	vand.u32 $0x1F80, v13  }
0xd6: {  	v20 =	vand.u32 $0x1F80, v18;
	v13 =	vshll.u32 v16, $0x7;
	v16 =	vshll.u32 v24, $0x7;
	v21 =	vld.idx.msk [tilespmem:v12+s15+$0x0], $0xffff  }
0xd7: {  	v18 =	vshll.u32 v26, $0x7;
	v16 =	vand.u32 $0x1F80, v16;
	v12 =	vld.idx.msk [tilespmem:v14+s15+$0x0], $0xffff;
	v14 =	vand.u32 $0x1F80, v13  }
0xd8: {  	v22 =	vshll.u32 v22, $0x7;
	v24 =	vand.u32 $0x1C00, v18;
	v13 =	vshll.u32 v23, $0x7;
	v18 =	vld.idx.msk [tilespmem:v15+s15+$0x0], $0xffff  }
.Ltmp6:
0xd9: {  	v29 =	vand.u32 $0x1F80, v22;
	v23 =	vor.u32 v16, v8;
	v26 =	vand.u32 $0x1F80, v13;
	v13 =	vld.idx.msk [tilespmem:v10+s15+$0x0], $0xffff;
	(pc) =	sbr.rel @p2 .LBB2_12-.Ltmp6, $4  }
0xda: {  	v22 =	vor.u32 v19, v8;
	v16 =	vshll.u32 v25, $0x7;
	v10 =	vor.u32 v26, v8;
	v15 =	vld.idx.msk [tilespmem:v17+s15+$0x0], $0xffff  }
0xdb: {  	v20 =	vor.u32 v20, v8;
	v17 =	vand.u32 $0x1F80, v16;
	v16 =	vld.idx.msk [tilespmem:v11+s15+$0x0], $0xffff  }
0xdc: {  	v19 =	vor.u32 v17, v8;
	v11 =	vor.u32 v29, v8;
	v25 =	vmul.f32 v21, v9;
	v17 =	vld.idx.msk [tilespmem:v27+s15+$0x0], $0xffff  }
0xdd: {  	v14 =	vor.u32 v14, v8;
	v21 =	vor.u32 v24, v7;
	v24 =	vmul.f32 v28, v9  }
0xde: {  	_ =	sdelay $0x3  }
0xdf: {  	[tilespmem:v23+s26+$0x0] =	vst.idx.msk $0xffff, v25;
	v5 =	vmul.f32 v18, v9  }
0xe0: {  	v6 =	vmul.f32 v12, v9;
	s9 =	sadd.s32 $0x1, s9;
	[tilespmem:v22+s26+$0x0] =	vst.idx.msk $0xffff, v24  }
0xe1: {  	v7 =	vmul.f32 v15, v9;
	p2 =	sne.s32 s9, $0x8;
	[tilespmem:v20+s26+$0x0] =	vst.idx.msk $0xffff, v5  }
.Ltmp7:
0xe2: {  	[tilespmem:v19+s26+$0x0] =	vst.idx.msk $0xffff, v6;
	v5 =	vmul.f32 v16, v9;
	(pc) =	sbr.rel @p2 .LBB2_11-.Ltmp7, $4  }
0xe3: {  	[tilespmem:v21+s26+$0x0] =	vst.idx.msk $0xffff, v7;
	v6 =	vmul.f32 v17, v9  }
0xe4: {  	v7 =	vmul.f32 v13, v9;
	[tilespmem:v10+s26+$0x0] =	vst.idx.msk $0xffff, v5  }
0xe5: {  	[tilespmem:v14+s26+$0x0] =	vst.idx.msk $0xffff, v6  }
0xe6: {  	[tilespmem:v11+s26+$0x0] =	vst.idx.msk $0xffff, v7  }
0xe7: {  	s6 =	sshll.u32 s14, $0x7  }
0xe8: {  	s9 =	sshll.u32 s14, $0xA;
	s6 =	sand.u32 $0x380, s6  }
0xe9: {  	s9 =	sand.u32 $0xFFFE000, s9;
	s6 =	sadd.s32 s2, s6  }
0xea: {  	s6 =	sadd.s32 s9, s6  }
0xeb: {  	[hbm4b:s6+s20] =	stream.strided.scatter [tilespmem:s26], [sflag:$0x8], $0x2000, s21, s20, $0x38;
	[tilespmem:$0x17200] =	vst v63  }
0xec: {  	s11 =	simm.s32 @!p1 $0x5200;
	s9 =	simm.s32 @!p1 $0x80;
	s6 =	sadd.s32 @!p1 $0x300, s10  }
0xed: {  	[tilespmem:s11], [sflag:$0x2] =	stream.indirect.gather @!p1 [hbm4b:s4+s9], $0x40, s6, s9, $0xb8;
	[tilespmem:$0x17200] =	vst v63  }
0xee: {  	_ =	swait.ge [sflag:s28], $0x2000  }
0xef: {  	s0 =	sadd.s32 $0x3, s0;
	[sflag:s28] =	ssyncset.done $0x0  }
0xf0: {  	s25 =	sshll.u32 s0, $0x7;
	s6 =	simm.s32 @!p0 $0x9;
	[sflag:s28] =	ssyncadd.s32 $0xFFFFE000  }
0xf1: {  	s9 =	sand.u32 $0x3FFFFF80, s25;
	_ =	swait.ge @!p0 [sflag:s6], $0x2000  }
0xf2: {  	s14 =	simm.s32 $0x0;
	s9 =	sadd.s32 $0x1900, s9;
	[sflag:s6] =	ssyncset.done @!p0 $0x0  }
0xf3: {  	s0 =	sadd.s32 s5, s0;
	v4 =	vmov s9;
	s9 =	simm.s32 $0x0;
	[sflag:s6] =	ssyncadd.s32 @!p0 $0xFFFFE000  }
.LBB2_15:
0xf4: {  	s6 =	sshll.u32 s9, $0x4  }
0xf5: {  	s11 =	simm.s32 $0x1;
	v10 =	vadd.s32 s14, v0;
	s16 =	simm.s32 $0x2;
	s23 =	simm.s32 $0x4;
	v8 =	vor.u32 s6, v0  }
0xf6: {  	s18 =	simm.s32 $0x5;
	s25 =	simm.s32 $0x3;
	v11 =	vadd.s32 s11, v0;
	v13 =	vadd.s32 s16, v0;
	v14 =	vadd.s32 s23, v0  }
0xf7: {  	v12 =	vadd.s32 s18, v0;
	v16 =	vadd.s32 s25, v0;
	v18 =	vand.u32 $0x38, v10  }
0xf8: {  	s23 =	simm.s32 $0x7;
	v10 =	vshll.u32 v10, $0x7;
	v5 =	vshll.u32 v8, $0x6;
	v7 =	vand.u32 $0x78, v8  }
0xf9: {  	s25 =	simm.s32 $0x6;
	v8 =	vand.u32 v3, v8;
	v9 =	vand.u32 $0x3F, v11;
	v15 =	vadd.s32 s23, v0  }
0xfa: {  	v19 =	vand.u32 $0x3F, v12;
	v20 =	vand.u32 $0x3F, v14;
	v21 =	vadd.s32 s25, v0  }
0xfb: {  	v23 =	vand.u32 $0x3F, v13;
	v17 =	vand.u32 $0x3F, v15;
	v19 =	vor.u32 v5, v19  }
0xfc: {  	v24 =	vand.u32 $0x3F, v16;
	v13 =	vshll.u32 v13, $0x7;
	v17 =	vor.u32 v5, v17  }
0xfd: {  	v14 =	vshll.u32 v14, $0x7;
	v22 =	vor.u32 v5, v9;
	v9 =	vand.u32 $0x3F, v21  }
0xfe: {  	v30 =	vand.u32 $0x1C00, v10;
	v11 =	vshll.u32 v11, $0x7;
	v25 =	vor.u32 v5, v9  }
0xff: {  	v6 =	vor.u32 v1, v5;
	v20 =	vor.u32 v5, v20;
	v15 =	vshll.u32 v15, $0x7;
	v9 =	vld.idx.msk [tilespmem:v4+s6+$0x0 ss:$0x1], $0xffff  }
0x100: {  	v27 =	vor.u32 v5, v23;
	v26 =	vor.u32 v18, v6;
	v18 =	vshll.u32 v21, $0x7;
	v21 =	vld.idx.msk [tilespmem:v19+s17+$0x0], $0xffff  }
0x101: {  	v28 =	vld.idx.msk [tilespmem:v17+s17+$0x0], $0xffff;
	v17 =	vand.u32 $0x1F80, v15;
	v15 =	vshll.u32 v16, $0x7;
	v16 =	vshll.u32 v12, $0x7  }
0x102: {  	v24 =	vor.u32 v5, v24;
	v12 =	vld.idx.msk [tilespmem:v22+s17+$0x0], $0xffff;
	v29 =	vand.u32 $0x1F80, v15;
	v15 =	vand.u32 $0x1F80, v16  }
0x103: {  	v7 =	vor.u32 v2, v7;
	v19 =	vand.u32 $0x1F80, v18;
	v18 =	vld.idx.msk [tilespmem:v25+s17+$0x0], $0xffff;
	v23 =	vor.u32 v15, v8  }
0x104: {  	v10 =	vand.u32 $0x1F80, v13;
	v14 =	vand.u32 $0x1F80, v14;
	v13 =	vld.idx.msk [tilespmem:v20+s17+$0x0], $0xffff;
	v22 =	vor.u32 v17, v8  }
0x105: {  	v11 =	vand.u32 $0x1F80, v11;
	v10 =	vor.u32 v10, v8;
	v20 =	vor.u32 v19, v8;
	v15 =	vld.idx.msk [tilespmem:v26+s17+$0x0], $0xffff  }
0x106: {  	v19 =	vor.u32 v11, v8;
	v11 =	vor.u32 v14, v8;
	v16 =	vld.idx.msk [tilespmem:v27+s17+$0x0], $0xffff;
	v25 =	vmul.f32 v21, v9  }
0x107: {  	s6 =	simm.s32 $0x8;
	v17 =	vld.idx.msk [tilespmem:v24+s17+$0x0], $0xffff;
	v14 =	vor.u32 v29, v8;
	v21 =	vor.u32 v30, v7;
	v24 =	vmul.f32 v28, v9  }
.LBB2_16:
0x108: {  	v26 =	vadd.s32 s6, v0;
	s11 =	sadd.s32 $0x1, s6;
	s16 =	sadd.s32 $0x2, s6;
	s18 =	sadd.s32 $0x3, s6;
	v12 =	vmul.f32 v12, v9;
	[tilespmem:v23+s29+$0x0] =	vst.idx.msk $0xffff, v25;
	v18 =	vmul.f32 v18, v9  }
0x109: {  	s23 =	sadd.s32 $0x6, s6;
	v13 =	vmul.f32 v13, v9;
	v25 =	vadd.s32 s11, v0;
	v23 =	vadd.s32 s16, v0;
	s11 =	sadd.s32 $0x4, s6;
	s16 =	sadd.s32 $0x5, s6;
	[tilespmem:v22+s29+$0x0] =	vst.idx.msk $0xffff, v24  }
0x10a: {  	p2 =	slt.u32 s6, $0x38;
	v15 =	vmul.f32 v15, v9;
	v22 =	vadd.s32 s11, v0;
	v24 =	vadd.s32 s16, v0;
	s11 =	sadd.s32 $0x7, s6;
	s6 =	sadd.s32 $0x8, s6;
	[tilespmem:v20+s29+$0x0] =	vst.idx.msk $0xffff, v18  }
0x10b: {  	v18 =	vand.u32 $0x3F, v25;
	v20 =	vadd.s32 s11, v0;
	[tilespmem:v19+s29+$0x0] =	vst.idx.msk $0xffff, v12;
	v12 =	vmul.f32 v16, v9  }
0x10c: {  	v16 =	vadd.s32 s18, v0;
	v19 =	vand.u32 $0x3F, v20;
	[tilespmem:v21+s29+$0x0] =	vst.idx.msk $0xffff, v15;
	v15 =	vmul.f32 v17, v9  }
0x10d: {  	v17 =	vand.u32 $0x38, v26;
	v21 =	vand.u32 $0x3F, v24;
	v19 =	vor.u32 v5, v19;
	[tilespmem:v10+s29+$0x0] =	vst.idx.msk $0xffff, v12  }
0x10e: {  	v10 =	vand.u32 $0x3F, v22;
	v12 =	vor.u32 v5, v21;
	v21 =	vadd.s32 s23, v0;
	[tilespmem:v14+s29+$0x0] =	vst.idx.msk $0xffff, v15  }
0x10f: {  	v14 =	vor.u32 v5, v18;
	v10 =	vor.u32 v5, v10;
	v15 =	vand.u32 $0x3F, v21;
	[tilespmem:v11+s29+$0x0] =	vst.idx.msk $0xffff, v13  }
0x110: {  	v11 =	vand.u32 $0x3F, v23;
	v13 =	vand.u32 $0x3F, v16;
	v15 =	vor.u32 v5, v15  }
0x111: {  	v17 =	vor.u32 v17, v6;
	v27 =	vor.u32 v5, v13;
	v13 =	vshll.u32 v20, $0x7  }
0x112: {  	v18 =	vshll.u32 v21, $0x7;
	v11 =	vor.u32 v5, v11;
	v28 =	vld.idx.msk [tilespmem:v19+s17+$0x0], $0xffff;
	v19 =	vand.u32 $0x1F80, v13  }
0x113: {  	v20 =	vand.u32 $0x1F80, v18;
	v13 =	vshll.u32 v16, $0x7;
	v16 =	vshll.u32 v24, $0x7;
	v21 =	vld.idx.msk [tilespmem:v12+s17+$0x0], $0xffff  }
0x114: {  	v18 =	vshll.u32 v26, $0x7;
	v16 =	vand.u32 $0x1F80, v16;
	v12 =	vld.idx.msk [tilespmem:v14+s17+$0x0], $0xffff;
	v14 =	vand.u32 $0x1F80, v13  }
0x115: {  	v22 =	vshll.u32 v22, $0x7;
	v24 =	vand.u32 $0x1C00, v18;
	v13 =	vshll.u32 v23, $0x7;
	v18 =	vld.idx.msk [tilespmem:v15+s17+$0x0], $0xffff  }
.Ltmp8:
0x116: {  	v29 =	vand.u32 $0x1F80, v22;
	v23 =	vor.u32 v16, v8;
	v26 =	vand.u32 $0x1F80, v13;
	v13 =	vld.idx.msk [tilespmem:v10+s17+$0x0], $0xffff;
	(pc) =	sbr.rel @p2 .LBB2_16-.Ltmp8, $4  }
0x117: {  	v22 =	vor.u32 v19, v8;
	v16 =	vshll.u32 v25, $0x7;
	v10 =	vor.u32 v26, v8;
	v15 =	vld.idx.msk [tilespmem:v17+s17+$0x0], $0xffff  }
0x118: {  	v20 =	vor.u32 v20, v8;
	v17 =	vand.u32 $0x1F80, v16;
	v16 =	vld.idx.msk [tilespmem:v11+s17+$0x0], $0xffff  }
0x119: {  	v19 =	vor.u32 v17, v8;
	v11 =	vor.u32 v29, v8;
	v25 =	vmul.f32 v21, v9;
	v17 =	vld.idx.msk [tilespmem:v27+s17+$0x0], $0xffff  }
0x11a: {  	v14 =	vor.u32 v14, v8;
	v21 =	vor.u32 v24, v7;
	v24 =	vmul.f32 v28, v9  }
0x11b: {  	_ =	sdelay $0x3  }
0x11c: {  	[tilespmem:v23+s29+$0x0] =	vst.idx.msk $0xffff, v25;
	v5 =	vmul.f32 v18, v9  }
0x11d: {  	v6 =	vmul.f32 v12, v9;
	s9 =	sadd.s32 $0x1, s9;
	[tilespmem:v22+s29+$0x0] =	vst.idx.msk $0xffff, v24  }
0x11e: {  	v7 =	vmul.f32 v15, v9;
	p2 =	sne.s32 s9, $0x8;
	[tilespmem:v20+s29+$0x0] =	vst.idx.msk $0xffff, v5  }
.Ltmp9:
0x11f: {  	[tilespmem:v19+s29+$0x0] =	vst.idx.msk $0xffff, v6;
	v5 =	vmul.f32 v16, v9;
	(pc) =	sbr.rel @p2 .LBB2_15-.Ltmp9, $4  }
0x120: {  	[tilespmem:v21+s29+$0x0] =	vst.idx.msk $0xffff, v7;
	v6 =	vmul.f32 v17, v9  }
0x121: {  	v7 =	vmul.f32 v13, v9;
	[tilespmem:v10+s29+$0x0] =	vst.idx.msk $0xffff, v5  }
0x122: {  	[tilespmem:v14+s29+$0x0] =	vst.idx.msk $0xffff, v6  }
0x123: {  	[tilespmem:v11+s29+$0x0] =	vst.idx.msk $0xffff, v7  }
0x124: {  	s6 =	sshll.u32 s0, $0x7  }
0x125: {  	s23 =	sshll.u32 s0, $0xA;
	s6 =	sand.u32 $0x380, s6  }
0x126: {  	s0 =	sand.u32 $0xFFFE000, s23;
	s6 =	sadd.s32 s2, s6  }
0x127: {  	s0 =	sadd.s32 s0, s6  }
0x128: {  	[hbm4b:s0+s20] =	stream.strided.scatter [tilespmem:s29], [sflag:$0x9], $0x2000, s21, s20, $0x38;
	[tilespmem:$0x17200] =	vst v63  }
0x129: {  	s9 =	simm.s32 @!p1 $0x7200;
	s6 =	simm.s32 @!p1 $0x80;
	s0 =	sadd.s32 @!p1 $0x380, s10  }
0x12a: {  	[tilespmem:s9], [sflag:$0x3] =	stream.indirect.gather @!p1 [hbm4b:s4+s6], $0x40, s0, s6, $0xb8;
	[tilespmem:$0x17200] =	vst v63  }
0x12b: {  	_ =	swait.ge [sflag:s30], $0x2000  }
0x12c: {  	[sflag:s30] =	ssyncset.done $0x0  }
0x12d: {  	s6 =	simm.s32 @!p0 $0xA;
	[sflag:s30] =	ssyncadd.s32 $0xFFFFE000  }
0x12e: {  	s25 =	sadd.s32 $0x1900, s1;
	_ =	swait.ge @!p0 [sflag:s6], $0x2000  }
0x12f: {  	s1 =	simm.s32 $0x0;
	s23 =	simm.s32 $0x80;
	[sflag:s6] =	ssyncset.done @!p0 $0x0  }
0x130: {  	v4 =	vmov s25;
	s0 =	sadd.s32 s5, s3;
	s3 =	simm.s32 $0x0;
	[sflag:s6] =	ssyncadd.s32 @!p0 $0xFFFFE000  }
.LBB2_19:
0x131: {  	s6 =	sshll.u32 s3, $0x4  }
0x132: {  	s9 =	simm.s32 $0x1;
	v10 =	vadd.s32 s1, v0;
	s10 =	simm.s32 $0x2;
	s14 =	simm.s32 $0x4;
	v8 =	vor.u32 s6, v0  }
0x133: {  	s11 =	simm.s32 $0x5;
	s16 =	simm.s32 $0x3;
	s18 =	simm.s32 $0x7;
	v11 =	vadd.s32 s9, v0;
	v13 =	vadd.s32 s10, v0;
	v14 =	vadd.s32 s14, v0  }
0x134: {  	s25 =	simm.s32 $0x6;
	v12 =	vadd.s32 s11, v0;
	v15 =	vadd.s32 s18, v0;
	v16 =	vadd.s32 s16, v0  }
0x135: {  	v18 =	vand.u32 $0x38, v10;
	v21 =	vadd.s32 s25, v0;
	v10 =	vshll.u32 v10, $0x7  }
0x136: {  	v5 =	vshll.u32 v8, $0x6;
	v7 =	vand.u32 $0x78, v8;
	v8 =	vand.u32 v3, v8  }
0x137: {  	v9 =	vand.u32 $0x3F, v11;
	v17 =	vand.u32 $0x3F, v15;
	v19 =	vand.u32 $0x3F, v12  }
0x138: {  	v20 =	vand.u32 $0x3F, v14;
	v23 =	vand.u32 $0x3F, v13;
	v17 =	vor.u32 v5, v17  }
0x139: {  	v24 =	vand.u32 $0x3F, v16;
	v15 =	vshll.u32 v15, $0x7;
	v19 =	vor.u32 v5, v19  }
0x13a: {  	v13 =	vshll.u32 v13, $0x7;
	v22 =	vor.u32 v5, v9;
	v9 =	vand.u32 $0x3F, v21  }
0x13b: {  	v14 =	vshll.u32 v14, $0x7;
	v30 =	vand.u32 $0x1C00, v10;
	v25 =	vor.u32 v5, v9  }
0x13c: {  	v11 =	vshll.u32 v11, $0x7;
	v6 =	vor.u32 v1, v5;
	v20 =	vor.u32 v5, v20;
	v9 =	vld.idx.msk [tilespmem:v4+s6+$0x0 ss:$0x1], $0xffff  }
0x13d: {  	v27 =	vor.u32 v5, v23;
	v26 =	vor.u32 v18, v6;
	v18 =	vshll.u32 v21, $0x7;
	v28 =	vld.idx.msk [tilespmem:v17+s22+$0x0], $0xffff  }
0x13e: {  	v17 =	vand.u32 $0x1F80, v15;
	v15 =	vshll.u32 v16, $0x7;
	v16 =	vshll.u32 v12, $0x7;
	v21 =	vld.idx.msk [tilespmem:v19+s22+$0x0], $0xffff  }
0x13f: {  	v24 =	vor.u32 v5, v24;
	v12 =	vld.idx.msk [tilespmem:v22+s22+$0x0], $0xffff;
	v29 =	vand.u32 $0x1F80, v15;
	v15 =	vand.u32 $0x1F80, v16  }
0x140: {  	v7 =	vor.u32 v2, v7;
	v19 =	vand.u32 $0x1F80, v18;
	v18 =	vld.idx.msk [tilespmem:v25+s22+$0x0], $0xffff;
	v23 =	vor.u32 v15, v8  }
0x141: {  	v10 =	vand.u32 $0x1F80, v13;
	v14 =	vand.u32 $0x1F80, v14;
	v13 =	vld.idx.msk [tilespmem:v20+s22+$0x0], $0xffff;
	v22 =	vor.u32 v17, v8  }
0x142: {  	v11 =	vand.u32 $0x1F80, v11;
	v10 =	vor.u32 v10, v8;
	v20 =	vor.u32 v19, v8;
	v15 =	vld.idx.msk [tilespmem:v26+s22+$0x0], $0xffff  }
0x143: {  	v16 =	vld.idx.msk [tilespmem:v27+s22+$0x0], $0xffff;
	v19 =	vor.u32 v11, v8;
	v11 =	vor.u32 v14, v8;
	v25 =	vmul.f32 v21, v9  }
0x144: {  	s6 =	simm.s32 $0x8;
	v17 =	vld.idx.msk [tilespmem:v24+s22+$0x0], $0xffff;
	v14 =	vor.u32 v29, v8;
	v21 =	vor.u32 v30, v7;
	v24 =	vmul.f32 v28, v9  }
.LBB2_20:
0x145: {  	v26 =	vadd.s32 s6, v0;
	s9 =	sadd.s32 $0x1, s6;
	s10 =	sadd.s32 $0x2, s6;
	s11 =	sadd.s32 $0x3, s6;
	v12 =	vmul.f32 v12, v9;
	[tilespmem:v23+s31+$0x0] =	vst.idx.msk $0xffff, v25;
	v18 =	vmul.f32 v18, v9  }
0x146: {  	s14 =	sadd.s32 $0x6, s6;
	v13 =	vmul.f32 v13, v9;
	v25 =	vadd.s32 s9, v0;
	v23 =	vadd.s32 s10, v0;
	s9 =	sadd.s32 $0x4, s6;
	s10 =	sadd.s32 $0x5, s6;
	[tilespmem:v22+s31+$0x0] =	vst.idx.msk $0xffff, v24  }
0x147: {  	p0 =	slt.u32 s6, $0x38;
	v15 =	vmul.f32 v15, v9;
	v22 =	vadd.s32 s9, v0;
	v24 =	vadd.s32 s10, v0;
	s9 =	sadd.s32 $0x7, s6;
	s6 =	sadd.s32 $0x8, s6;
	[tilespmem:v20+s31+$0x0] =	vst.idx.msk $0xffff, v18  }
0x148: {  	v18 =	vand.u32 $0x3F, v25;
	v20 =	vadd.s32 s9, v0;
	[tilespmem:v19+s31+$0x0] =	vst.idx.msk $0xffff, v12;
	v12 =	vmul.f32 v16, v9  }
0x149: {  	v16 =	vadd.s32 s11, v0;
	v19 =	vand.u32 $0x3F, v20;
	[tilespmem:v21+s31+$0x0] =	vst.idx.msk $0xffff, v15;
	v15 =	vmul.f32 v17, v9  }
0x14a: {  	v17 =	vand.u32 $0x38, v26;
	v21 =	vand.u32 $0x3F, v24;
	v19 =	vor.u32 v5, v19;
	[tilespmem:v10+s31+$0x0] =	vst.idx.msk $0xffff, v12  }
0x14b: {  	v10 =	vand.u32 $0x3F, v22;
	v12 =	vor.u32 v5, v21;
	v21 =	vadd.s32 s14, v0;
	[tilespmem:v14+s31+$0x0] =	vst.idx.msk $0xffff, v15  }
0x14c: {  	v14 =	vor.u32 v5, v18;
	v10 =	vor.u32 v5, v10;
	v15 =	vand.u32 $0x3F, v21;
	[tilespmem:v11+s31+$0x0] =	vst.idx.msk $0xffff, v13  }
0x14d: {  	v11 =	vand.u32 $0x3F, v23;
	v13 =	vand.u32 $0x3F, v16;
	v15 =	vor.u32 v5, v15  }
0x14e: {  	v17 =	vor.u32 v17, v6;
	v27 =	vor.u32 v5, v13;
	v13 =	vshll.u32 v20, $0x7  }
0x14f: {  	v18 =	vshll.u32 v21, $0x7;
	v11 =	vor.u32 v5, v11;
	v28 =	vld.idx.msk [tilespmem:v19+s22+$0x0], $0xffff;
	v19 =	vand.u32 $0x1F80, v13  }
0x150: {  	v20 =	vand.u32 $0x1F80, v18;
	v13 =	vshll.u32 v16, $0x7;
	v16 =	vshll.u32 v24, $0x7;
	v21 =	vld.idx.msk [tilespmem:v12+s22+$0x0], $0xffff  }
0x151: {  	v18 =	vshll.u32 v26, $0x7;
	v16 =	vand.u32 $0x1F80, v16;
	v12 =	vld.idx.msk [tilespmem:v14+s22+$0x0], $0xffff;
	v14 =	vand.u32 $0x1F80, v13  }
0x152: {  	v22 =	vshll.u32 v22, $0x7;
	v24 =	vand.u32 $0x1C00, v18;
	v13 =	vshll.u32 v23, $0x7;
	v18 =	vld.idx.msk [tilespmem:v15+s22+$0x0], $0xffff  }
.Ltmp10:
0x153: {  	v29 =	vand.u32 $0x1F80, v22;
	v23 =	vor.u32 v16, v8;
	v26 =	vand.u32 $0x1F80, v13;
	v13 =	vld.idx.msk [tilespmem:v10+s22+$0x0], $0xffff;
	(pc) =	sbr.rel @p0 .LBB2_20-.Ltmp10, $4  }
0x154: {  	v22 =	vor.u32 v19, v8;
	v16 =	vshll.u32 v25, $0x7;
	v10 =	vor.u32 v26, v8;
	v15 =	vld.idx.msk [tilespmem:v17+s22+$0x0], $0xffff  }
0x155: {  	v20 =	vor.u32 v20, v8;
	v17 =	vand.u32 $0x1F80, v16;
	v16 =	vld.idx.msk [tilespmem:v11+s22+$0x0], $0xffff  }
0x156: {  	v19 =	vor.u32 v17, v8;
	v11 =	vor.u32 v29, v8;
	v25 =	vmul.f32 v21, v9;
	v17 =	vld.idx.msk [tilespmem:v27+s22+$0x0], $0xffff  }
0x157: {  	v14 =	vor.u32 v14, v8;
	v21 =	vor.u32 v24, v7;
	v24 =	vmul.f32 v28, v9  }
0x158: {  	_ =	sdelay $0x3  }
0x159: {  	[tilespmem:v23+s31+$0x0] =	vst.idx.msk $0xffff, v25;
	v5 =	vmul.f32 v18, v9  }
0x15a: {  	v6 =	vmul.f32 v12, v9;
	s3 =	sadd.s32 $0x1, s3;
	[tilespmem:v22+s31+$0x0] =	vst.idx.msk $0xffff, v24  }
0x15b: {  	v7 =	vmul.f32 v15, v9;
	p0 =	sne.s32 s3, $0x8;
	[tilespmem:v20+s31+$0x0] =	vst.idx.msk $0xffff, v5  }
.Ltmp11:
0x15c: {  	[tilespmem:v19+s31+$0x0] =	vst.idx.msk $0xffff, v6;
	v5 =	vmul.f32 v16, v9;
	(pc) =	sbr.rel @p0 .LBB2_19-.Ltmp11, $4  }
0x15d: {  	[tilespmem:v21+s31+$0x0] =	vst.idx.msk $0xffff, v7;
	v6 =	vmul.f32 v17, v9  }
0x15e: {  	v7 =	vmul.f32 v13, v9;
	[tilespmem:v10+s31+$0x0] =	vst.idx.msk $0xffff, v5  }
0x15f: {  	[tilespmem:v14+s31+$0x0] =	vst.idx.msk $0xffff, v6  }
0x160: {  	[tilespmem:v11+s31+$0x0] =	vst.idx.msk $0xffff, v7  }
.Ltmp12:
0x161: {  	s1 =	sshll.u32 s0, $0x7;
	(pc) =	sbr.rel @p1 .LBB2_24-.Ltmp12, $4  }
0x162: {  	s25 =	sshll.u32 s0, $0xA;
	s1 =	sand.u32 $0x380, s1  }
0x163: {  	s0 =	sand.u32 $0xFFFE000, s25;
	s1 =	sadd.s32 s2, s1  }
0x164: {  	s0 =	sadd.s32 s0, s1  }
0x165: {  	[hbm4b:s0+s20] =	stream.strided.scatter [tilespmem:s31], [sflag:$0xA], $0x2000, s21, s20, $0x38;
	[tilespmem:$0x17200] =	vst v63  }
.Ltmp13:
0x166: {  	(pc) =	sbr.rel .LBB2_2-.Ltmp13, $3  }
0x167: {  	_ =	sdelay $0x1  }
0x168: {  	s0 =	sadd.s32 $0x400, s8;
	s7 =	sadd.s32 $0x1, s7  }
0x169: {  	[tilespmem:s17], [sflag:$0x4] =	stream.indirect.gather [hbm4b:s4+s23], $0x40, s0, s23, $0xb8;
	[tilespmem:$0x17200] =	vst v63  }
.LBB2_25:
0x16a: {  	_ =	sfence.sel $0x180000  }
0x16b: {  	[bflag:$0x0] =	sbarrier.arrive $0xFFFF  }
0x16c: {  	_ =	strace $0x90000047  }
0x16d: {  	s0 =	stileid.u32;
	[bflag:$0x2] =	sbarrier.arrive $0xFFFF  }
0x16e: {  	p0 =	sne.s32 s0, $0x0;
	s0 =	rddreg [dreg:$0x2]  }
0x16f: {  	s0 =	sadd.s32 @!p0 $0x100000, s0  }
0x170: {  	[sflag:s0] =	ssyncadd.tile.s32 @!p0 $0x1;
	_ =	shalt  }
.Lfunc_end2:
_tile_overlayer_lowered:
.L_overlay_start_2:
0x171: {  	(tag) =	ssettag $0x2  }
0x172: {  	s0 =	rddreg [dreg:$0x0];
	s2 =	stileid.u32  }
0x173: {  	s1 =	rddreg [dreg:$0x1];
	p0 =	sne.s32 s2, $0x0  }
0x174: {  	s3 =	rddreg [dreg:$0x2];
	[bflag:$0x3] =	sbarrier.arrive $0xFFFF;
	s2 =	simm.s32 @!p0 $0x1C0B  }
0x175: {  	[timem:s3], [sflag:s2] =	dma.local @!p0 [hbm:s0], s1  }
0x176: {  	s0 =	simm.s32 @!p0 $0xB  }
0x177: {  	_ =	swait.ge @!p0 [sflag:s0], s1  }
0x178: {  	s1 =	ssub.s32 @!p0 $0x0, s1;
	[sflag:s0] =	ssyncset.done @!p0 $0x0  }
0x179: {  	[sflag:s0] =	ssyncadd.s32 @!p0 s1  }
0x17a: {  	[bflag:$0x3] =	sbarrier.arrive $0xFFFF  }
0x17b: {  	_ =	shalt  }

</sc_bundles>
